<compile_context>
chip_gen: v7x
topology: tpu7x:2x2x1
jax: 0.10.2.dev20260603
libtpu: 0.0.44.dev20260713+nightly
codegen_flags: <defaults>
</compile_context>

<pallas_src>
import functools

import jax
import jax.numpy as jnp
from jax import lax
from jax.experimental import pallas as pl
from jax.experimental.pallas import tpu as pltpu
from jax.experimental.pallas import tpu_sc as plsc

_R = 32
_B = 8
_C = 64
_N = 32768
_NVOX = _R * _R * _R
_L = 16
_CHUNK = 8192
_NCHUNK = _N // _CHUNK


def _prep_body(coords_ref, nc_ref, flat_ref):
    c = coords_ref[...]
    mean = jnp.mean(c, axis=2, keepdims=True)
    cen = c - mean
    norms = jnp.sqrt(jnp.sum(cen * cen, axis=1, keepdims=True))
    mx = jnp.max(norms, axis=2, keepdims=True)
    denom = mx * 2.0
    nc = cen / denom + 0.5
    nc = nc * float(_R)
    nc = jnp.clip(nc, 0.0, float(_R - 1))
    vox = jnp.round(nc).astype(jnp.int32)
    flat = (vox[:, 0] * _R + vox[:, 1]) * _R + vox[:, 2]
    nc_ref[...] = nc
    flat_ref[...] = flat


_prep = pl.pallas_call(
    _prep_body,
    out_shape=(
        jax.ShapeDtypeStruct((_B, 3, _N), jnp.float32),
        jax.ShapeDtypeStruct((_B, _N), jnp.int32),
    ),
)


def _scatter_body(feat_hbm, flat_hbm, out_hbm,
                  idx_v, recip_v, acc_v, feat_v, sem0, sem1):
    wid = lax.axis_index("s") * 2 + lax.axis_index("c")
    b = wid // 4
    c0 = (wid % 4) * 16

    pltpu.sync_copy(flat_hbm.at[b], idx_v)

    zeros = jnp.zeros((_L,), jnp.float32)
    ones = jnp.ones((_L,), jnp.float32)

    @plsc.parallel_loop(0, _NVOX, step=_L, unroll=8)
    def _(j):
        acc_v[pl.ds(j, _L)] = zeros

    @plsc.parallel_loop(0, _N, step=_L, unroll=8)
    def _(j):
        iv = idx_v[pl.ds(j, _L)]
        plsc.addupdate_scatter(acc_v, [iv], ones)

    @plsc.parallel_loop(0, _N, step=_L, unroll=8)
    def _(j):
        iv = idx_v[pl.ds(j, _L)]
        cv = plsc.load_gather(acc_v, [iv])
        recip_v[pl.ds(j, _L)] = 1.0 / jnp.maximum(cv, 1.0)

    sems = (sem0, sem1)

    def chan_body(ci, carry):
        ch = c0 + ci

        @plsc.parallel_loop(0, _NVOX, step=_L, unroll=8)
        def _(j):
            acc_v[pl.ds(j, _L)] = zeros

        cps = [None, None]
        cps[0] = pltpu.async_copy(
            feat_hbm.at[b, ch, pl.ds(0, _CHUNK)], feat_v.at[0], sems[0])
        for k in range(_NCHUNK):
            buf = k % 2
            if k + 1 < _NCHUNK:
                cps[(k + 1) % 2] = pltpu.async_copy(
                    feat_hbm.at[b, ch, pl.ds((k + 1) * _CHUNK, _CHUNK)],
                    feat_v.at[(k + 1) % 2], sems[(k + 1) % 2])
            cps[buf].wait()

            kbase = k * _CHUNK

            @plsc.parallel_loop(0, _CHUNK, step=_L, unroll=8)
            def _(j, _buf=buf, _kbase=kbase):
                iv = idx_v[pl.ds(_kbase + j, _L)]
                fv = feat_v[_buf, pl.ds(j, _L)]
                rv = recip_v[pl.ds(_kbase + j, _L)]
                plsc.addupdate_scatter(acc_v, [iv], fv * rv)

        pltpu.sync_copy(acc_v, out_hbm.at[b, ch])
        return carry

    lax.fori_loop(0, 16, chan_body, 0)


_scatter = functools.partial(
    pl.kernel,
    out_type=jax.ShapeDtypeStruct((_B, _C, _NVOX), jnp.float32),
    mesh=plsc.VectorSubcoreMesh(core_axis_name="c", subcore_axis_name="s"),
    scratch_types=[
        pltpu.VMEM((_N,), jnp.int32),
        pltpu.VMEM((_NVOX,), jnp.float32),
        pltpu.VMEM((_NVOX,), jnp.float32),
        pltpu.VMEM((2, _CHUNK), jnp.float32),
        pltpu.SemaphoreType.DMA,
        pltpu.SemaphoreType.DMA,
    ],
    compiler_params=pltpu.CompilerParams(needs_layout_passes=False),
)(_scatter_body)


@jax.jit
def kernel(features, coords):
    norm_coords, flat = _prep(coords)
    avg = _scatter(features, flat)
    return avg.reshape(_B, _C, _R, _R, _R), norm_coords

# --- scband reference (transcript-rebuilt; emitter-appended) ---
"""Pipeline reference for scband-voxelization-62749472195254 (READ-ONLY COPY).

The authoritative reference and input builder live on the scoring server;
editing this copy changes nothing except your own understanding.
"""

import jax, jax.numpy as jnp
import numpy as np

R = 32
EPS = 0.0

def setup_inputs(seed: int = 0) -> dict:
    key = jax.random.key(seed)
    k1, k2 = jax.random.split(key)
    features = jax.random.normal(k1, (8, 64, 32768), dtype=jnp.float32)
    coords = jax.random.normal(k2, (8, 3, 32768), dtype=jnp.float32)
    return {"features": features, "coords": coords}


def _voxel_coords(coords, r, eps):
    # coords: [B, 3, N]
    norm_coords = coords - coords.mean(axis=2, keepdims=True)
    # normalize=True branch
    norms = jnp.linalg.norm(norm_coords, axis=1, keepdims=True)  # [B, 1, N]
    max_norm = norms.max(axis=2, keepdims=True)                  # [B, 1, 1]
    denom = max_norm * 2.0 + eps
    norm_coords = norm_coords / denom + 0.5
    norm_coords = norm_coords * r
    norm_coords = jnp.clip(norm_coords, 0.0, r - 1)
    vox = jnp.round(norm_coords).astype(jnp.int32)               # [B, 3, N]
    flat = (vox[:, 0] * r + vox[:, 1]) * r + vox[:, 2]           # [B, N]
    return norm_coords, flat


def _avg_voxelize(features, flat_idx, r):
    # features: [B, C, N], flat_idx: [B, N] -> [B, C, r, r, r]
    B, C, N = features.shape
    n_vox = r * r * r

    def per_batch(f, idx):
        sums = jax.ops.segment_sum(f.T, idx, num_segments=n_vox)                      # [n_vox, C]
        cnts = jax.ops.segment_sum(jnp.ones((N,), f.dtype), idx, num_segments=n_vox)  # [n_vox]
        avg = sums / jnp.maximum(cnts, 1.0)[:, None]
        return avg.T  # [C, n_vox]

    out = jax.vmap(per_batch)(features, flat_idx)
    return out.reshape(B, C, r, r, r)


def reference(features, coords):
    norm_coords, flat = _voxel_coords(coords, R, EPS)
    averaged_voxel_features = _avg_voxelize(features, flat, R)
    return (averaged_voxel_features, norm_coords)

if __name__ == "__main__":
    import jax
    _d = setup_inputs()
    print(jax.jit(kernel)(*tuple(_d.values())))

</pallas_src>

<mosaic_0001>
#map = affine_map<(d0, d1) -> (0, 0, 0)>
#map1 = affine_map<(d0, d1) -> (0, 0)>
module attributes {stable_mosaic.version = 14 : i64} {
  func.func @_scatter_body(%arg0: i32, %arg1: i32, %arg2: memref<8x64x32768xf32, #tpu.memory_space<hbm>>, %arg3: memref<8x32768xi32, #tpu.memory_space<hbm>>, %arg4: memref<8x64x32768xf32, #tpu.memory_space<hbm>>, %arg5: memref<32768xi32, #tpu.memory_space<vmem>>, %arg6: memref<32768xf32, #tpu.memory_space<vmem>>, %arg7: memref<32768xf32, #tpu.memory_space<vmem>>, %arg8: memref<2x8192xf32, #tpu.memory_space<vmem>>, %arg9: memref<!tpu.dma_semaphore, #tpu.memory_space<semaphore_mem>>, %arg10: memref<!tpu.dma_semaphore, #tpu.memory_space<semaphore_mem>>) attributes {dimension_semantics = [#tpu.dimension_semantics<core_parallel>, #tpu.dimension_semantics<subcore_parallel>], iteration_bounds = array<i64: 2, 16>, scalar_prefetch = 0 : i64, scratch_operands = 6 : i64, tpu.core_type = #tpu.core_type<sc_vector_subcore>, window_params = [{transform_indices = #map}, {transform_indices = #map1}, {transform_indices = #map}]} {
    %mul3A = arith.constant 2 : i32
    %mul3A_0 = arith.muli %arg1, %mul3A : i32
    %add3A = arith.addi %mul3A_0, %arg0 : i32
    %jit3A = arith.constant 4 : i32
    %div3A = arith.divsi %add3A, %jit3A : i32
    %sign3A = arith.constant 0 : i32
    %sign3A_1 = arith.cmpi sgt, %add3A, %sign3A : i32
    %sign3A_2 = arith.extui %sign3A_1 : i1 to i32
    %sign3A_3 = arith.constant 0 : i32
    %sign3A_4 = arith.cmpi slt, %add3A, %sign3A_3 : i32
    %sign3A_5 = arith.extui %sign3A_4 : i1 to i32
    %sign3A_6 = arith.subi %sign3A_2, %sign3A_5 : i32
    %sign3A_7 = arith.constant 0 : i32
    %sign3A_8 = arith.cmpi sgt, %jit3A, %sign3A_7 : i32
    %sign3A_9 = arith.extui %sign3A_8 : i1 to i32
    %sign3A_10 = arith.constant 0 : i32
    %sign3A_11 = arith.cmpi slt, %jit3A, %sign3A_10 : i32
    %sign3A_12 = arith.extui %sign3A_11 : i1 to i32
    %sign3A_13 = arith.subi %sign3A_9, %sign3A_12 : i32
    %ne3A = arith.cmpi ne, %sign3A_6, %sign3A_13 : i32
    %rem3A = arith.remsi %add3A, %jit3A : i32
    %ne3A_14 = arith.constant 0 : i32
    %ne3A_15 = arith.cmpi ne, %rem3A, %ne3A_14 : i32
    %and3A = arith.andi %ne3A, %ne3A_15 : i1
    %sub3A = arith.constant 1 : i32
    %sub3A_16 = arith.subi %div3A, %sub3A : i32
    %select_n3A = arith.select %and3A, %sub3A_16, %div3A : i32
    %jit3A_17 = arith.constant 4 : i32
    %eq3A = arith.constant 0 : i32
    %eq3A_18 = arith.cmpi eq, %jit3A_17, %eq3A : i32
    %jit3A_19 = arith.constant 1 : i32
    %select_n3A_20 = arith.select %eq3A_18, %jit3A_19, %jit3A_17 : i32
    %rem3A_21 = arith.remsi %add3A, %select_n3A_20 : i32
    %ne3A_22 = arith.constant 0 : i32
    %ne3A_23 = arith.cmpi ne, %rem3A_21, %ne3A_22 : i32
    %lt3A = arith.constant 0 : i32
    %lt3A_24 = arith.cmpi slt, %rem3A_21, %lt3A : i32
    %lt3A_25 = arith.constant 0 : i32
    %lt3A_26 = arith.cmpi slt, %select_n3A_20, %lt3A_25 : i32
    %ne3A_27 = arith.xori %lt3A_24, %lt3A_26 : i1
    %and3A_28 = arith.andi %ne3A_27, %ne3A_23 : i1
    %add3A_29 = arith.addi %rem3A_21, %select_n3A_20 : i32
    %select_n3A_30 = arith.select %and3A_28, %add3A_29, %rem3A_21 : i32
    %mul3A_31 = arith.constant 16 : i32
    %mul3A_32 = arith.muli %select_n3A_30, %mul3A_31 : i32
    "tpu.region"() ({
      %run_scoped3A = tpu.sem_alloc : memref<!tpu.dma_semaphore, #tpu.memory_space<semaphore_mem>>
      %dma_start3A = arith.constant 0 : i32
      %dma_start3A_49 = tpu.memref_slice %arg3[%select_n3A, %dma_start3A] : memref<8x32768xi32, #tpu.memory_space<hbm>> -> memref<1x32768xi32, #tpu.memory_space<hbm>>
      %dma_start3A_50 = tpu.memref_squeeze %dma_start3A_49 : memref<1x32768xi32, #tpu.memory_space<hbm>> -> memref<32768xi32, #tpu.memory_space<hbm>>
      %dma_start3A_51 = arith.constant 0 : i32
      %dma_start3A_52 = tpu.memref_slice %arg3[%select_n3A, %dma_start3A_51] : memref<8x32768xi32, #tpu.memory_space<hbm>> -> memref<1x32768xi32, #tpu.memory_space<hbm>>
      %dma_start3A_53 = tpu.memref_squeeze %dma_start3A_52 : memref<1x32768xi32, #tpu.memory_space<hbm>> -> memref<32768xi32, #tpu.memory_space<hbm>>
      tpu.enqueue_dma source(%dma_start3A_53 : memref<32768xi32, #tpu.memory_space<hbm>>) target(%arg5 : memref<32768xi32, #tpu.memory_space<vmem>>) target_semaphore(%run_scoped3A : memref<!tpu.dma_semaphore, #tpu.memory_space<semaphore_mem>>)
      %dma_wait3A = arith.constant 0 : i32
      %dma_wait3A_54 = tpu.memref_slice %arg3[%select_n3A, %dma_wait3A] : memref<8x32768xi32, #tpu.memory_space<hbm>> -> memref<1x32768xi32, #tpu.memory_space<hbm>>
      %dma_wait3A_55 = tpu.memref_squeeze %dma_wait3A_54 : memref<1x32768xi32, #tpu.memory_space<hbm>> -> memref<32768xi32, #tpu.memory_space<hbm>>
      %dma_wait3A_56 = arith.constant 0 : i32
      %dma_wait3A_57 = tpu.memref_slice %arg3[%select_n3A, %dma_wait3A_56] : memref<8x32768xi32, #tpu.memory_space<hbm>> -> memref<1x32768xi32, #tpu.memory_space<hbm>>
      %dma_wait3A_58 = tpu.memref_squeeze %dma_wait3A_57 : memref<1x32768xi32, #tpu.memory_space<hbm>> -> memref<32768xi32, #tpu.memory_space<hbm>>
      tpu.wait_dma2 semaphore(%run_scoped3A : memref<!tpu.dma_semaphore, #tpu.memory_space<semaphore_mem>>) src(%dma_wait3A_58 : memref<32768xi32, #tpu.memory_space<hbm>>) dst(%arg5 : memref<32768xi32, #tpu.memory_space<vmem>>)
      tpu.yield
    }) : () -> ()
    %broadcast_in_dim3A = arith.constant 0.000000e+00 : f32
    %broadcast_in_dim3A_33 = vector.broadcast %broadcast_in_dim3A : f32 to vector<16xf32>
    %broadcast_in_dim3A_34 = arith.constant 1.000000e+00 : f32
    %broadcast_in_dim3A_35 = vector.broadcast %broadcast_in_dim3A_34 : f32 to vector<16xf32>
    %parallel_loop3A = arith.constant 0 : i32
    %parallel_loop3A_36 = arith.constant 32768 : i32
    %parallel_loop3A_37 = arith.constant 16 : i32
    scf.for %parallel_loop3A_49 = %parallel_loop3A to %parallel_loop3A_36 step %parallel_loop3A_37  : i32 {
      %parallel_loop3A_50 = arith.index_cast %parallel_loop3A_49 : i32 to index
      %parallel_loop3A_51 = tpu.vector_load %arg7[%parallel_loop3A_50] {strides = array<i32>} : memref<32768xf32, #tpu.memory_space<vmem>>, vector<16xf32>,
      tpu.vector_store %arg7[%parallel_loop3A_50], %broadcast_in_dim3A_33 {strides = array<i32>} : memref<32768xf32, #tpu.memory_space<vmem>>, vector<16xf32>,
    } {sc.loop_unroll_factor = 8 : i64, sc.parallel_access}
    %parallel_loop3A_38 = arith.constant 0 : i32
    %parallel_loop3A_39 = arith.constant 32768 : i32
    %parallel_loop3A_40 = arith.constant 16 : i32
    scf.for %parallel_loop3A_49 = %parallel_loop3A_38 to %parallel_loop3A_39 step %parallel_loop3A_40  : i32 {
      %parallel_loop3A_50 = arith.index_cast %parallel_loop3A_49 : i32 to index
      %parallel_loop3A_51 = tpu.vector_load %arg5[%parallel_loop3A_50] {strides = array<i32>} : memref<32768xi32, #tpu.memory_space<vmem>>, vector<16xi32>,
      tpu.vector_store_idx %arg7[%parallel_loop3A_51], %broadcast_in_dim3A_35 {add = true} : memref<32768xf32, #tpu.memory_space<vmem>>[vector<16xi32>], vector<16xf32>,
    } {sc.loop_unroll_factor = 8 : i64, sc.parallel_access}
    %parallel_loop3A_41 = arith.constant 0 : i32
    %parallel_loop3A_42 = arith.constant 32768 : i32
    %parallel_loop3A_43 = arith.constant 16 : i32
    scf.for %parallel_loop3A_49 = %parallel_loop3A_41 to %parallel_loop3A_42 step %parallel_loop3A_43  : i32 {
      %parallel_loop3A_50 = arith.index_cast %parallel_loop3A_49 : i32 to index
      %parallel_loop3A_51 = tpu.vector_load %arg5[%parallel_loop3A_50] {strides = array<i32>} : memref<32768xi32, #tpu.memory_space<vmem>>, vector<16xi32>,
      %parallel_loop3A_52 = tpu.vector_load_idx %arg7[%parallel_loop3A_51] : memref<32768xf32, #tpu.memory_space<vmem>>[vector<16xi32>], vector<16xf32>,
      %parallel_loop3A_53 = arith.constant 1.000000e+00 : f32
      %parallel_loop3A_54 = vector.broadcast %parallel_loop3A_53 : f32 to vector<16xf32>
      %parallel_loop3A_55 = arith.maximumf %parallel_loop3A_52, %parallel_loop3A_54 : vector<16xf32>
      %parallel_loop3A_56 = arith.constant 1.000000e+00 : f32
      %parallel_loop3A_57 = vector.broadcast %parallel_loop3A_56 : f32 to vector<16xf32>
      %parallel_loop3A_58 = arith.divf %parallel_loop3A_57, %parallel_loop3A_55 : vector<16xf32>
      %parallel_loop3A_59 = arith.index_cast %parallel_loop3A_49 : i32 to index
      %parallel_loop3A_60 = tpu.vector_load %arg6[%parallel_loop3A_59] {strides = array<i32>} : memref<32768xf32, #tpu.memory_space<vmem>>, vector<16xf32>,
      tpu.vector_store %arg6[%parallel_loop3A_59], %parallel_loop3A_58 {strides = array<i32>} : memref<32768xf32, #tpu.memory_space<vmem>>, vector<16xf32>,
    } {sc.loop_unroll_factor = 8 : i64, sc.parallel_access}
    %scan3A = arith.constant 0 : i32
    %scan3A_44 = arith.constant 0 : i32
    %scan3A_45 = arith.constant 16 : i32
    %scan3A_46 = arith.addi %scan3A_44, %scan3A_45 : i32
    %scan3A_47 = arith.constant 1 : i32
    scf.for %scan3A_49 = %scan3A_44 to %scan3A_46 step %scan3A_47  : i32 {
      %add3A_50 = arith.addi %mul3A_32, %scan3A_49 : i32
      %parallel_loop3A_51 = arith.constant 0 : i32
      %parallel_loop3A_52 = arith.constant 32768 : i32
      %parallel_loop3A_53 = arith.constant 16 : i32
      scf.for %parallel_loop3A_168 = %parallel_loop3A_51 to %parallel_loop3A_52 step %parallel_loop3A_53  : i32 {
        %parallel_loop3A_169 = arith.index_cast %parallel_loop3A_168 : i32 to index
        %parallel_loop3A_170 = tpu.vector_load %arg7[%parallel_loop3A_169] {strides = array<i32>} : memref<32768xf32, #tpu.memory_space<vmem>>, vector<16xf32>,
        tpu.vector_store %arg7[%parallel_loop3A_169], %broadcast_in_dim3A_33 {strides = array<i32>} : memref<32768xf32, #tpu.memory_space<vmem>>, vector<16xf32>,
      } {sc.loop_unroll_factor = 8 : i64, sc.parallel_access}
      %dma_start3A = arith.constant 0 : i32
      %dma_start3A_54 = arith.constant 0 : i32
      %dma_start3A_55 = tpu.memref_slice %arg8[%dma_start3A, %dma_start3A_54] : memref<2x8192xf32, #tpu.memory_space<vmem>> -> memref<1x8192xf32, #tpu.memory_space<vmem>>
      %dma_start3A_56 = tpu.memref_squeeze %dma_start3A_55 : memref<1x8192xf32, #tpu.memory_space<vmem>> -> memref<8192xf32, #tpu.memory_space<vmem>>
      %dma_start3A_57 = arith.constant 0 : i32
      %dma_start3A_58 = tpu.memref_slice %arg2[%select_n3A, %add3A_50, %dma_start3A_57] : memref<8x64x32768xf32, #tpu.memory_space<hbm>> -> memref<1x1x8192xf32, #tpu.memory_space<hbm>>
      %dma_start3A_59 = tpu.memref_squeeze %dma_start3A_58 : memref<1x1x8192xf32, #tpu.memory_space<hbm>> -> memref<8192xf32, #tpu.memory_space<hbm>>
      %dma_start3A_60 = arith.constant 0 : i32
      %dma_start3A_61 = tpu.memref_slice %arg8[%dma_start3A, %dma_start3A_60] : memref<2x8192xf32, #tpu.memory_space<vmem>> -> memref<1x8192xf32, #tpu.memory_space<vmem>>
      %dma_start3A_62 = tpu.memref_squeeze %dma_start3A_61 : memref<1x8192xf32, #tpu.memory_space<vmem>> -> memref<8192xf32, #tpu.memory_space<vmem>>
      %dma_start3A_63 = arith.constant 0 : i32
      %dma_start3A_64 = tpu.memref_slice %arg2[%select_n3A, %add3A_50, %dma_start3A_63] : memref<8x64x32768xf32, #tpu.memory_space<hbm>> -> memref<1x1x8192xf32, #tpu.memory_space<hbm>>
      %dma_start3A_65 = tpu.memref_squeeze %dma_start3A_64 : memref<1x1x8192xf32, #tpu.memory_space<hbm>> -> memref<8192xf32, #tpu.memory_space<hbm>>
      tpu.enqueue_dma source(%dma_start3A_65 : memref<8192xf32, #tpu.memory_space<hbm>>) target(%dma_start3A_62 : memref<8192xf32, #tpu.memory_space<vmem>>) target_semaphore(%arg9 : memref<!tpu.dma_semaphore, #tpu.memory_space<semaphore_mem>>)
      %dma_start3A_66 = arith.constant 1 : i32
      %dma_start3A_67 = arith.constant 0 : i32
      %dma_start3A_68 = tpu.memref_slice %arg8[%dma_start3A_66, %dma_start3A_67] : memref<2x8192xf32, #tpu.memory_space<vmem>> -> memref<1x8192xf32, #tpu.memory_space<vmem>>
      %dma_start3A_69 = tpu.memref_squeeze %dma_start3A_68 : memref<1x8192xf32, #tpu.memory_space<vmem>> -> memref<8192xf32, #tpu.memory_space<vmem>>
      %dma_start3A_70 = arith.constant 8192 : i32
      %dma_start3A_71 = tpu.memref_slice %arg2[%select_n3A, %add3A_50, %dma_start3A_70] : memref<8x64x32768xf32, #tpu.memory_space<hbm>> -> memref<1x1x8192xf32, #tpu.memory_space<hbm>>
      %dma_start3A_72 = tpu.memref_squeeze %dma_start3A_71 : memref<1x1x8192xf32, #tpu.memory_space<hbm>> -> memref<8192xf32, #tpu.memory_space<hbm>>
      %dma_start3A_73 = arith.constant 0 : i32
      %dma_start3A_74 = tpu.memref_slice %arg8[%dma_start3A_66, %dma_start3A_73] : memref<2x8192xf32, #tpu.memory_space<vmem>> -> memref<1x8192xf32, #tpu.memory_space<vmem>>
      %dma_start3A_75 = tpu.memref_squeeze %dma_start3A_74 : memref<1x8192xf32, #tpu.memory_space<vmem>> -> memref<8192xf32, #tpu.memory_space<vmem>>
      %dma_start3A_76 = arith.constant 8192 : i32
      %dma_start3A_77 = tpu.memref_slice %arg2[%select_n3A, %add3A_50, %dma_start3A_76] : memref<8x64x32768xf32, #tpu.memory_space<hbm>> -> memref<1x1x8192xf32, #tpu.memory_space<hbm>>
      %dma_start3A_78 = tpu.memref_squeeze %dma_start3A_77 : memref<1x1x8192xf32, #tpu.memory_space<hbm>> -> memref<8192xf32, #tpu.memory_space<hbm>>
      tpu.enqueue_dma source(%dma_start3A_78 : memref<8192xf32, #tpu.memory_space<hbm>>) target(%dma_start3A_75 : memref<8192xf32, #tpu.memory_space<vmem>>) target_semaphore(%arg10 : memref<!tpu.dma_semaphore, #tpu.memory_space<semaphore_mem>>)
      %dma_wait3A = arith.constant 0 : i32
      %dma_wait3A_79 = arith.constant 0 : i32
      %dma_wait3A_80 = tpu.memref_slice %arg8[%dma_wait3A, %dma_wait3A_79] : memref<2x8192xf32, #tpu.memory_space<vmem>> -> memref<1x8192xf32, #tpu.memory_space<vmem>>
      %dma_wait3A_81 = tpu.memref_squeeze %dma_wait3A_80 : memref<1x8192xf32, #tpu.memory_space<vmem>> -> memref<8192xf32, #tpu.memory_space<vmem>>
      %dma_wait3A_82 = arith.constant 0 : i32
      %dma_wait3A_83 = tpu.memref_slice %arg2[%select_n3A, %add3A_50, %dma_wait3A_82] : memref<8x64x32768xf32, #tpu.memory_space<hbm>> -> memref<1x1x8192xf32, #tpu.memory_space<hbm>>
      %dma_wait3A_84 = tpu.memref_squeeze %dma_wait3A_83 : memref<1x1x8192xf32, #tpu.memory_space<hbm>> -> memref<8192xf32, #tpu.memory_space<hbm>>
      %dma_wait3A_85 = arith.constant 0 : i32
      %dma_wait3A_86 = tpu.memref_slice %arg8[%dma_wait3A, %dma_wait3A_85] : memref<2x8192xf32, #tpu.memory_space<vmem>> -> memref<1x8192xf32, #tpu.memory_space<vmem>>
      %dma_wait3A_87 = tpu.memref_squeeze %dma_wait3A_86 : memref<1x8192xf32, #tpu.memory_space<vmem>> -> memref<8192xf32, #tpu.memory_space<vmem>>
      %dma_wait3A_88 = arith.constant 0 : i32
      %dma_wait3A_89 = tpu.memref_slice %arg2[%select_n3A, %add3A_50, %dma_wait3A_88] : memref<8x64x32768xf32, #tpu.memory_space<hbm>> -> memref<1x1x8192xf32, #tpu.memory_space<hbm>>
      %dma_wait3A_90 = tpu.memref_squeeze %dma_wait3A_89 : memref<1x1x8192xf32, #tpu.memory_space<hbm>> -> memref<8192xf32, #tpu.memory_space<hbm>>
      tpu.wait_dma2 semaphore(%arg9 : memref<!tpu.dma_semaphore, #tpu.memory_space<semaphore_mem>>) src(%dma_wait3A_90 : memref<8192xf32, #tpu.memory_space<hbm>>) dst(%dma_wait3A_87 : memref<8192xf32, #tpu.memory_space<vmem>>)
      %parallel_loop3A_91 = arith.constant 0 : i32
      %parallel_loop3A_92 = arith.constant 8192 : i32
      %parallel_loop3A_93 = arith.constant 16 : i32
      scf.for %parallel_loop3A_168 = %parallel_loop3A_91 to %parallel_loop3A_92 step %parallel_loop3A_93  : i32 {
        %parallel_loop3A_169 = arith.constant 0 : i32
        %parallel_loop3A_170 = arith.addi %parallel_loop3A_169, %parallel_loop3A_168 : i32
        %parallel_loop3A_171 = arith.index_cast %parallel_loop3A_170 : i32 to index
        %parallel_loop3A_172 = tpu.vector_load %arg5[%parallel_loop3A_171] {strides = array<i32>} : memref<32768xi32, #tpu.memory_space<vmem>>, vector<16xi32>,
        %parallel_loop3A_173 = arith.constant 0 : i32
        %parallel_loop3A_174 = arith.index_cast %parallel_loop3A_173 : i32 to index
        %parallel_loop3A_175 = arith.index_cast %parallel_loop3A_168 : i32 to index
        %parallel_loop3A_176 = tpu.vector_load %arg8[%parallel_loop3A_174, %parallel_loop3A_175] {strides = array<i32>} : memref<2x8192xf32, #tpu.memory_space<vmem>>, vector<16xf32>,
        %parallel_loop3A_177 = arith.constant 0 : i32
        %parallel_loop3A_178 = arith.addi %parallel_loop3A_177, %parallel_loop3A_168 : i32
        %parallel_loop3A_179 = arith.index_cast %parallel_loop3A_178 : i32 to index
        %parallel_loop3A_180 = tpu.vector_load %arg6[%parallel_loop3A_179] {strides = array<i32>} : memref<32768xf32, #tpu.memory_space<vmem>>, vector<16xf32>,
        %parallel_loop3A_181 = arith.mulf %parallel_loop3A_176, %parallel_loop3A_180 : vector<16xf32>
        tpu.vector_store_idx %arg7[%parallel_loop3A_172], %parallel_loop3A_181 {add = true} : memref<32768xf32, #tpu.memory_space<vmem>>[vector<16xi32>], vector<16xf32>,
      } {sc.loop_unroll_factor = 8 : i64, sc.parallel_access}
      %dma_start3A_94 = arith.constant 0 : i32
      %dma_start3A_95 = arith.constant 0 : i32
      %dma_start3A_96 = tpu.memref_slice %arg8[%dma_start3A_94, %dma_start3A_95] : memref<2x8192xf32, #tpu.memory_space<vmem>> -> memref<1x8192xf32, #tpu.memory_space<vmem>>
      %dma_start3A_97 = tpu.memref_squeeze %dma_start3A_96 : memref<1x8192xf32, #tpu.memory_space<vmem>> -> memref<8192xf32, #tpu.memory_space<vmem>>
      %dma_start3A_98 = arith.constant 16384 : i32
      %dma_start3A_99 = tpu.memref_slice %arg2[%select_n3A, %add3A_50, %dma_start3A_98] : memref<8x64x32768xf32, #tpu.memory_space<hbm>> -> memref<1x1x8192xf32, #tpu.memory_space<hbm>>
      %dma_start3A_100 = tpu.memref_squeeze %dma_start3A_99 : memref<1x1x8192xf32, #tpu.memory_space<hbm>> -> memref<8192xf32, #tpu.memory_space<hbm>>
      %dma_start3A_101 = arith.constant 0 : i32
      %dma_start3A_102 = tpu.memref_slice %arg8[%dma_start3A_94, %dma_start3A_101] : memref<2x8192xf32, #tpu.memory_space<vmem>> -> memref<1x8192xf32, #tpu.memory_space<vmem>>
      %dma_start3A_103 = tpu.memref_squeeze %dma_start3A_102 : memref<1x8192xf32, #tpu.memory_space<vmem>> -> memref<8192xf32, #tpu.memory_space<vmem>>
      %dma_start3A_104 = arith.constant 16384 : i32
      %dma_start3A_105 = tpu.memref_slice %arg2[%select_n3A, %add3A_50, %dma_start3A_104] : memref<8x64x32768xf32, #tpu.memory_space<hbm>> -> memref<1x1x8192xf32, #tpu.memory_space<hbm>>
      %dma_start3A_106 = tpu.memref_squeeze %dma_start3A_105 : memref<1x1x8192xf32, #tpu.memory_space<hbm>> -> memref<8192xf32, #tpu.memory_space<hbm>>
      tpu.enqueue_dma source(%dma_start3A_106 : memref<8192xf32, #tpu.memory_space<hbm>>) target(%dma_start3A_103 : memref<8192xf32, #tpu.memory_space<vmem>>) target_semaphore(%arg9 : memref<!tpu.dma_semaphore, #tpu.memory_space<semaphore_mem>>)
      %dma_wait3A_107 = arith.constant 1 : i32
      %dma_wait3A_108 = arith.constant 0 : i32
      %dma_wait3A_109 = tpu.memref_slice %arg8[%dma_wait3A_107, %dma_wait3A_108] : memref<2x8192xf32, #tpu.memory_space<vmem>> -> memref<1x8192xf32, #tpu.memory_space<vmem>>
      %dma_wait3A_110 = tpu.memref_squeeze %dma_wait3A_109 : memref<1x8192xf32, #tpu.memory_space<vmem>> -> memref<8192xf32, #tpu.memory_space<vmem>>
      %dma_wait3A_111 = arith.constant 8192 : i32
      %dma_wait3A_112 = tpu.memref_slice %arg2[%select_n3A, %add3A_50, %dma_wait3A_111] : memref<8x64x32768xf32, #tpu.memory_space<hbm>> -> memref<1x1x8192xf32, #tpu.memory_space<hbm>>
      %dma_wait3A_113 = tpu.memref_squeeze %dma_wait3A_112 : memref<1x1x8192xf32, #tpu.memory_space<hbm>> -> memref<8192xf32, #tpu.memory_space<hbm>>
      %dma_wait3A_114 = arith.constant 0 : i32
      %dma_wait3A_115 = tpu.memref_slice %arg8[%dma_wait3A_107, %dma_wait3A_114] : memref<2x8192xf32, #tpu.memory_space<vmem>> -> memref<1x8192xf32, #tpu.memory_space<vmem>>
      %dma_wait3A_116 = tpu.memref_squeeze %dma_wait3A_115 : memref<1x8192xf32, #tpu.memory_space<vmem>> -> memref<8192xf32, #tpu.memory_space<vmem>>
      %dma_wait3A_117 = arith.constant 8192 : i32
      %dma_wait3A_118 = tpu.memref_slice %arg2[%select_n3A, %add3A_50, %dma_wait3A_117] : memref<8x64x32768xf32, #tpu.memory_space<hbm>> -> memref<1x1x8192xf32, #tpu.memory_space<hbm>>
      %dma_wait3A_119 = tpu.memref_squeeze %dma_wait3A_118 : memref<1x1x8192xf32, #tpu.memory_space<hbm>> -> memref<8192xf32, #tpu.memory_space<hbm>>
      tpu.wait_dma2 semaphore(%arg10 : memref<!tpu.dma_semaphore, #tpu.memory_space<semaphore_mem>>) src(%dma_wait3A_119 : memref<8192xf32, #tpu.memory_space<hbm>>) dst(%dma_wait3A_116 : memref<8192xf32, #tpu.memory_space<vmem>>)
      %parallel_loop3A_120 = arith.constant 0 : i32
      %parallel_loop3A_121 = arith.constant 8192 : i32
      %parallel_loop3A_122 = arith.constant 16 : i32
      scf.for %parallel_loop3A_168 = %parallel_loop3A_120 to %parallel_loop3A_121 step %parallel_loop3A_122  : i32 {
        %parallel_loop3A_169 = arith.constant 8192 : i32
        %parallel_loop3A_170 = arith.addi %parallel_loop3A_169, %parallel_loop3A_168 : i32
        %parallel_loop3A_171 = arith.index_cast %parallel_loop3A_170 : i32 to index
        %parallel_loop3A_172 = tpu.vector_load %arg5[%parallel_loop3A_171] {strides = array<i32>} : memref<32768xi32, #tpu.memory_space<vmem>>, vector<16xi32>,
        %parallel_loop3A_173 = arith.constant 1 : i32
        %parallel_loop3A_174 = arith.index_cast %parallel_loop3A_173 : i32 to index
        %parallel_loop3A_175 = arith.index_cast %parallel_loop3A_168 : i32 to index
        %parallel_loop3A_176 = tpu.vector_load %arg8[%parallel_loop3A_174, %parallel_loop3A_175] {strides = array<i32>} : memref<2x8192xf32, #tpu.memory_space<vmem>>, vector<16xf32>,
        %parallel_loop3A_177 = arith.constant 8192 : i32
        %parallel_loop3A_178 = arith.addi %parallel_loop3A_177, %parallel_loop3A_168 : i32
        %parallel_loop3A_179 = arith.index_cast %parallel_loop3A_178 : i32 to index
        %parallel_loop3A_180 = tpu.vector_load %arg6[%parallel_loop3A_179] {strides = array<i32>} : memref<32768xf32, #tpu.memory_space<vmem>>, vector<16xf32>,
        %parallel_loop3A_181 = arith.mulf %parallel_loop3A_176, %parallel_loop3A_180 : vector<16xf32>
        tpu.vector_store_idx %arg7[%parallel_loop3A_172], %parallel_loop3A_181 {add = true} : memref<32768xf32, #tpu.memory_space<vmem>>[vector<16xi32>], vector<16xf32>,
      } {sc.loop_unroll_factor = 8 : i64, sc.parallel_access}
      %dma_start3A_123 = arith.constant 1 : i32
      %dma_start3A_124 = arith.constant 0 : i32
      %dma_start3A_125 = tpu.memref_slice %arg8[%dma_start3A_123, %dma_start3A_124] : memref<2x8192xf32, #tpu.memory_space<vmem>> -> memref<1x8192xf32, #tpu.memory_space<vmem>>
      %dma_start3A_126 = tpu.memref_squeeze %dma_start3A_125 : memref<1x8192xf32, #tpu.memory_space<vmem>> -> memref<8192xf32, #tpu.memory_space<vmem>>
      %dma_start3A_127 = arith.constant 24576 : i32
      %dma_start3A_128 = tpu.memref_slice %arg2[%select_n3A, %add3A_50, %dma_start3A_127] : memref<8x64x32768xf32, #tpu.memory_space<hbm>> -> memref<1x1x8192xf32, #tpu.memory_space<hbm>>
      %dma_start3A_129 = tpu.memref_squeeze %dma_start3A_128 : memref<1x1x8192xf32, #tpu.memory_space<hbm>> -> memref<8192xf32, #tpu.memory_space<hbm>>
      %dma_start3A_130 = arith.constant 0 : i32
      %dma_start3A_131 = tpu.memref_slice %arg8[%dma_start3A_123, %dma_start3A_130] : memref<2x8192xf32, #tpu.memory_space<vmem>> -> memref<1x8192xf32, #tpu.memory_space<vmem>>
      %dma_start3A_132 = tpu.memref_squeeze %dma_start3A_131 : memref<1x8192xf32, #tpu.memory_space<vmem>> -> memref<8192xf32, #tpu.memory_space<vmem>>
      %dma_start3A_133 = arith.constant 24576 : i32
      %dma_start3A_134 = tpu.memref_slice %arg2[%select_n3A, %add3A_50, %dma_start3A_133] : memref<8x64x32768xf32, #tpu.memory_space<hbm>> -> memref<1x1x8192xf32, #tpu.memory_space<hbm>>
      %dma_start3A_135 = tpu.memref_squeeze %dma_start3A_134 : memref<1x1x8192xf32, #tpu.memory_space<hbm>> -> memref<8192xf32, #tpu.memory_space<hbm>>
      tpu.enqueue_dma source(%dma_start3A_135 : memref<8192xf32, #tpu.memory_space<hbm>>) target(%dma_start3A_132 : memref<8192xf32, #tpu.memory_space<vmem>>) target_semaphore(%arg10 : memref<!tpu.dma_semaphore, #tpu.memory_space<semaphore_mem>>)
      %dma_wait3A_136 = arith.constant 0 : i32
      %dma_wait3A_137 = arith.constant 0 : i32
      %dma_wait3A_138 = tpu.memref_slice %arg8[%dma_wait3A_136, %dma_wait3A_137] : memref<2x8192xf32, #tpu.memory_space<vmem>> -> memref<1x8192xf32, #tpu.memory_space<vmem>>
      %dma_wait3A_139 = tpu.memref_squeeze %dma_wait3A_138 : memref<1x8192xf32, #tpu.memory_space<vmem>> -> memref<8192xf32, #tpu.memory_space<vmem>>
      %dma_wait3A_140 = arith.constant 16384 : i32
      %dma_wait3A_141 = tpu.memref_slice %arg2[%select_n3A, %add3A_50, %dma_wait3A_140] : memref<8x64x32768xf32, #tpu.memory_space<hbm>> -> memref<1x1x8192xf32, #tpu.memory_space<hbm>>
      %dma_wait3A_142 = tpu.memref_squeeze %dma_wait3A_141 : memref<1x1x8192xf32, #tpu.memory_space<hbm>> -> memref<8192xf32, #tpu.memory_space<hbm>>
      %dma_wait3A_143 = arith.constant 0 : i32
      %dma_wait3A_144 = tpu.memref_slice %arg8[%dma_wait3A_136, %dma_wait3A_143] : memref<2x8192xf32, #tpu.memory_space<vmem>> -> memref<1x8192xf32, #tpu.memory_space<vmem>>
      %dma_wait3A_145 = tpu.memref_squeeze %dma_wait3A_144 : memref<1x8192xf32, #tpu.memory_space<vmem>> -> memref<8192xf32, #tpu.memory_space<vmem>>
      %dma_wait3A_146 = arith.constant 16384 : i32
      %dma_wait3A_147 = tpu.memref_slice %arg2[%select_n3A, %add3A_50, %dma_wait3A_146] : memref<8x64x32768xf32, #tpu.memory_space<hbm>> -> memref<1x1x8192xf32, #tpu.memory_space<hbm>>
      %dma_wait3A_148 = tpu.memref_squeeze %dma_wait3A_147 : memref<1x1x8192xf32, #tpu.memory_space<hbm>> -> memref<8192xf32, #tpu.memory_space<hbm>>
      tpu.wait_dma2 semaphore(%arg9 : memref<!tpu.dma_semaphore, #tpu.memory_space<semaphore_mem>>) src(%dma_wait3A_148 : memref<8192xf32, #tpu.memory_space<hbm>>) dst(%dma_wait3A_145 : memref<8192xf32, #tpu.memory_space<vmem>>)
      %parallel_loop3A_149 = arith.constant 0 : i32
      %parallel_loop3A_150 = arith.constant 8192 : i32
      %parallel_loop3A_151 = arith.constant 16 : i32
      scf.for %parallel_loop3A_168 = %parallel_loop3A_149 to %parallel_loop3A_150 step %parallel_loop3A_151  : i32 {
        %parallel_loop3A_169 = arith.constant 16384 : i32
        %parallel_loop3A_170 = arith.addi %parallel_loop3A_169, %parallel_loop3A_168 : i32
        %parallel_loop3A_171 = arith.index_cast %parallel_loop3A_170 : i32 to index
        %parallel_loop3A_172 = tpu.vector_load %arg5[%parallel_loop3A_171] {strides = array<i32>} : memref<32768xi32, #tpu.memory_space<vmem>>, vector<16xi32>,
        %parallel_loop3A_173 = arith.constant 0 : i32
        %parallel_loop3A_174 = arith.index_cast %parallel_loop3A_173 : i32 to index
        %parallel_loop3A_175 = arith.index_cast %parallel_loop3A_168 : i32 to index
        %parallel_loop3A_176 = tpu.vector_load %arg8[%parallel_loop3A_174, %parallel_loop3A_175] {strides = array<i32>} : memref<2x8192xf32, #tpu.memory_space<vmem>>, vector<16xf32>,
        %parallel_loop3A_177 = arith.constant 16384 : i32
        %parallel_loop3A_178 = arith.addi %parallel_loop3A_177, %parallel_loop3A_168 : i32
        %parallel_loop3A_179 = arith.index_cast %parallel_loop3A_178 : i32 to index
        %parallel_loop3A_180 = tpu.vector_load %arg6[%parallel_loop3A_179] {strides = array<i32>} : memref<32768xf32, #tpu.memory_space<vmem>>, vector<16xf32>,
        %parallel_loop3A_181 = arith.mulf %parallel_loop3A_176, %parallel_loop3A_180 : vector<16xf32>
        tpu.vector_store_idx %arg7[%parallel_loop3A_172], %parallel_loop3A_181 {add = true} : memref<32768xf32, #tpu.memory_space<vmem>>[vector<16xi32>], vector<16xf32>,
      } {sc.loop_unroll_factor = 8 : i64, sc.parallel_access}
      %dma_wait3A_152 = arith.constant 1 : i32
      %dma_wait3A_153 = arith.constant 0 : i32
      %dma_wait3A_154 = tpu.memref_slice %arg8[%dma_wait3A_152, %dma_wait3A_153] : memref<2x8192xf32, #tpu.memory_space<vmem>> -> memref<1x8192xf32, #tpu.memory_space<vmem>>
      %dma_wait3A_155 = tpu.memref_squeeze %dma_wait3A_154 : memref<1x8192xf32, #tpu.memory_space<vmem>> -> memref<8192xf32, #tpu.memory_space<vmem>>
      %dma_wait3A_156 = arith.constant 24576 : i32
      %dma_wait3A_157 = tpu.memref_slice %arg2[%select_n3A, %add3A_50, %dma_wait3A_156] : memref<8x64x32768xf32, #tpu.memory_space<hbm>> -> memref<1x1x8192xf32, #tpu.memory_space<hbm>>
      %dma_wait3A_158 = tpu.memref_squeeze %dma_wait3A_157 : memref<1x1x8192xf32, #tpu.memory_space<hbm>> -> memref<8192xf32, #tpu.memory_space<hbm>>
      %dma_wait3A_159 = arith.constant 0 : i32
      %dma_wait3A_160 = tpu.memref_slice %arg8[%dma_wait3A_152, %dma_wait3A_159] : memref<2x8192xf32, #tpu.memory_space<vmem>> -> memref<1x8192xf32, #tpu.memory_space<vmem>>
      %dma_wait3A_161 = tpu.memref_squeeze %dma_wait3A_160 : memref<1x8192xf32, #tpu.memory_space<vmem>> -> memref<8192xf32, #tpu.memory_space<vmem>>
      %dma_wait3A_162 = arith.constant 24576 : i32
      %dma_wait3A_163 = tpu.memref_slice %arg2[%select_n3A, %add3A_50, %dma_wait3A_162] : memref<8x64x32768xf32, #tpu.memory_space<hbm>> -> memref<1x1x8192xf32, #tpu.memory_space<hbm>>
      %dma_wait3A_164 = tpu.memref_squeeze %dma_wait3A_163 : memref<1x1x8192xf32, #tpu.memory_space<hbm>> -> memref<8192xf32, #tpu.memory_space<hbm>>
      tpu.wait_dma2 semaphore(%arg10 : memref<!tpu.dma_semaphore, #tpu.memory_space<semaphore_mem>>) src(%dma_wait3A_164 : memref<8192xf32, #tpu.memory_space<hbm>>) dst(%dma_wait3A_161 : memref<8192xf32, #tpu.memory_space<vmem>>)
      %parallel_loop3A_165 = arith.constant 0 : i32
      %parallel_loop3A_166 = arith.constant 8192 : i32
      %parallel_loop3A_167 = arith.constant 16 : i32
      scf.for %parallel_loop3A_168 = %parallel_loop3A_165 to %parallel_loop3A_166 step %parallel_loop3A_167  : i32 {
        %parallel_loop3A_169 = arith.constant 24576 : i32
        %parallel_loop3A_170 = arith.addi %parallel_loop3A_169, %parallel_loop3A_168 : i32
        %parallel_loop3A_171 = arith.index_cast %parallel_loop3A_170 : i32 to index
        %parallel_loop3A_172 = tpu.vector_load %arg5[%parallel_loop3A_171] {strides = array<i32>} : memref<32768xi32, #tpu.memory_space<vmem>>, vector<16xi32>,
        %parallel_loop3A_173 = arith.constant 1 : i32
        %parallel_loop3A_174 = arith.index_cast %parallel_loop3A_173 : i32 to index
        %parallel_loop3A_175 = arith.index_cast %parallel_loop3A_168 : i32 to index
        %parallel_loop3A_176 = tpu.vector_load %arg8[%parallel_loop3A_174, %parallel_loop3A_175] {strides = array<i32>} : memref<2x8192xf32, #tpu.memory_space<vmem>>, vector<16xf32>,
        %parallel_loop3A_177 = arith.constant 24576 : i32
        %parallel_loop3A_178 = arith.addi %parallel_loop3A_177, %parallel_loop3A_168 : i32
        %parallel_loop3A_179 = arith.index_cast %parallel_loop3A_178 : i32 to index
        %parallel_loop3A_180 = tpu.vector_load %arg6[%parallel_loop3A_179] {strides = array<i32>} : memref<32768xf32, #tpu.memory_space<vmem>>, vector<16xf32>,
        %parallel_loop3A_181 = arith.mulf %parallel_loop3A_176, %parallel_loop3A_180 : vector<16xf32>
        tpu.vector_store_idx %arg7[%parallel_loop3A_172], %parallel_loop3A_181 {add = true} : memref<32768xf32, #tpu.memory_space<vmem>>[vector<16xi32>], vector<16xf32>,
      } {sc.loop_unroll_factor = 8 : i64, sc.parallel_access}
      "tpu.region"() ({
        %run_scoped3A = tpu.sem_alloc : memref<!tpu.dma_semaphore, #tpu.memory_space<semaphore_mem>>
        %dma_start3A_168 = arith.constant 0 : i32
        %dma_start3A_169 = tpu.memref_slice %arg4[%select_n3A, %add3A_50, %dma_start3A_168] : memref<8x64x32768xf32, #tpu.memory_space<hbm>> -> memref<1x1x32768xf32, #tpu.memory_space<hbm>>
        %dma_start3A_170 = tpu.memref_squeeze %dma_start3A_169 : memref<1x1x32768xf32, #tpu.memory_space<hbm>> -> memref<32768xf32, #tpu.memory_space<hbm>>
        %dma_start3A_171 = arith.constant 0 : i32
        %dma_start3A_172 = tpu.memref_slice %arg4[%select_n3A, %add3A_50, %dma_start3A_171] : memref<8x64x32768xf32, #tpu.memory_space<hbm>> -> memref<1x1x32768xf32, #tpu.memory_space<hbm>>
        %dma_start3A_173 = tpu.memref_squeeze %dma_start3A_172 : memref<1x1x32768xf32, #tpu.memory_space<hbm>> -> memref<32768xf32, #tpu.memory_space<hbm>>
        tpu.enqueue_dma source(%arg7 : memref<32768xf32, #tpu.memory_space<vmem>>) target(%dma_start3A_173 : memref<32768xf32, #tpu.memory_space<hbm>>) target_semaphore(%run_scoped3A : memref<!tpu.dma_semaphore, #tpu.memory_space<semaphore_mem>>)
        %dma_wait3A_174 = arith.constant 0 : i32
        %dma_wait3A_175 = tpu.memref_slice %arg4[%select_n3A, %add3A_50, %dma_wait3A_174] : memref<8x64x32768xf32, #tpu.memory_space<hbm>> -> memref<1x1x32768xf32, #tpu.memory_space<hbm>>
        %dma_wait3A_176 = tpu.memref_squeeze %dma_wait3A_175 : memref<1x1x32768xf32, #tpu.memory_space<hbm>> -> memref<32768xf32, #tpu.memory_space<hbm>>
        %dma_wait3A_177 = arith.constant 0 : i32
        %dma_wait3A_178 = tpu.memref_slice %arg4[%select_n3A, %add3A_50, %dma_wait3A_177] : memref<8x64x32768xf32, #tpu.memory_space<hbm>> -> memref<1x1x32768xf32, #tpu.memory_space<hbm>>
        %dma_wait3A_179 = tpu.memref_squeeze %dma_wait3A_178 : memref<1x1x32768xf32, #tpu.memory_space<hbm>> -> memref<32768xf32, #tpu.memory_space<hbm>>
        tpu.wait_dma2 semaphore(%run_scoped3A : memref<!tpu.dma_semaphore, #tpu.memory_space<semaphore_mem>>) src(%arg7 : memref<32768xf32, #tpu.memory_space<vmem>>) dst(%dma_wait3A_179 : memref<32768xf32, #tpu.memory_space<hbm>>)
        tpu.yield
      }) : () -> ()
    }
    %scan3A_48 = arith.constant 16 : i32
    return
  }
}

module attributes {stable_mosaic.version = 14 : i64} {
  func.func @_prep_body(%arg0: memref<8x3x32768xf32, #tpu.memory_space<vmem>>, %arg1: memref<8x3x32768xf32, #tpu.memory_space<vmem>>, %arg2: memref<8x32768xi32, #tpu.memory_space<vmem>>) attributes {dimension_semantics = [], scalar_prefetch = 0 : i64, scratch_operands = 0 : i64, tpu.core_type = #tpu.core_type<tc>} {
    %get3A = arith.constant 0 : index
    %get3A_0 = arith.constant 0 : index
    %get3A_1 = arith.constant 0 : index
    %get3A_2 = vector.load %arg0[%get3A, %get3A_0, %get3A_1] : memref<8x3x32768xf32, #tpu.memory_space<vmem>>, vector<8x3x32768xf32>
    %reduce_sum3A = arith.constant dense<0.000000e+00> : vector<8x3xf32>
    %reduce_sum3A_3 = vector.multi_reduction <add>, %get3A_2, %reduce_sum3A [2] : vector<8x3x32768xf32> to vector<8x3xf32>
    %broadcast_in_dim3A = vector.shape_cast %reduce_sum3A_3 : vector<8x3xf32> to vector<8x3x1xf32>
    %div3A = arith.constant 3.276800e+04 : f32
    %div3A_4 = vector.broadcast %div3A : f32 to vector<8x3x1xf32>
    %div3A_5 = arith.divf %broadcast_in_dim3A, %div3A_4 : vector<8x3x1xf32>
    %sub3A = vector.broadcast %div3A_5 : vector<8x3x1xf32> to vector<8x3x32768xf32>
    %sub3A_6 = arith.subf %get3A_2, %sub3A : vector<8x3x32768xf32>
    %mul3A = arith.mulf %sub3A_6, %sub3A_6 : vector<8x3x32768xf32>
    %reduce_sum3A_7 = arith.constant dense<0.000000e+00> : vector<8x32768xf32>
    %reduce_sum3A_8 = vector.multi_reduction <add>, %mul3A, %reduce_sum3A_7 [1] : vector<8x3x32768xf32> to vector<8x32768xf32>
    %broadcast_in_dim3A_9 = vector.shape_cast %reduce_sum3A_8 : vector<8x32768xf32> to vector<8x1x32768xf32>
    %sqrt3A = math.sqrt %broadcast_in_dim3A_9 : vector<8x1x32768xf32>
    %reduce_max3A = arith.constant dense<0xFF800000> : vector<8x1xf32>
    %reduce_max3A_10 = vector.multi_reduction <maximumf>, %sqrt3A, %reduce_max3A [2] : vector<8x1x32768xf32> to vector<8x1xf32>
    %broadcast_in_dim3A_11 = vector.shape_cast %reduce_max3A_10 : vector<8x1xf32> to vector<8x1x1xf32>
    %mul3A_12 = arith.constant 2.000000e+00 : f32
    %mul3A_13 = vector.broadcast %mul3A_12 : f32 to vector<8x1x1xf32>
    %mul3A_14 = arith.mulf %broadcast_in_dim3A_11, %mul3A_13 : vector<8x1x1xf32>
    %div3A_15 = vector.broadcast %mul3A_14 : vector<8x1x1xf32> to vector<8x3x32768xf32>
    %div3A_16 = arith.divf %sub3A_6, %div3A_15 : vector<8x3x32768xf32>
    %add3A = arith.constant 5.000000e-01 : f32
    %add3A_17 = vector.broadcast %add3A : f32 to vector<8x3x32768xf32>
    %add3A_18 = arith.addf %div3A_16, %add3A_17 : vector<8x3x32768xf32>
    %mul3A_19 = arith.constant 3.200000e+01 : f32
    %mul3A_20 = vector.broadcast %mul3A_19 : f32 to vector<8x3x32768xf32>
    %mul3A_21 = arith.mulf %add3A_18, %mul3A_20 : vector<8x3x32768xf32>
    %jit3A = arith.constant 0.000000e+00 : f32
    %jit3A_22 = arith.constant 3.100000e+01 : f32
    %max3A = vector.broadcast %jit3A : f32 to vector<8x3x32768xf32>
    %max3A_23 = arith.maximumf %max3A, %mul3A_21 : vector<8x3x32768xf32>
    %min3A = vector.broadcast %jit3A_22 : f32 to vector<8x3x32768xf32>
    %min3A_24 = arith.minimumf %min3A, %max3A_23 : vector<8x3x32768xf32>
    %round3A = math.roundeven %min3A_24 : vector<8x3x32768xf32>
    %convert_element_type3A = arith.fptosi %round3A : vector<8x3x32768xf32> to vector<8x3x32768xi32>
    %slice3A = vector.extract_strided_slice %convert_element_type3A {offsets = [0, 0, 0], sizes = [8, 1, 32768], strides = [1, 1, 1]} : vector<8x3x32768xi32> to vector<8x1x32768xi32>
    %squeeze3A = vector.shape_cast %slice3A : vector<8x1x32768xi32> to vector<8x32768xi32>
    %mul3A_25 = arith.constant 32 : i32
    %mul3A_26 = vector.broadcast %mul3A_25 : i32 to vector<8x32768xi32>
    %mul3A_27 = arith.muli %squeeze3A, %mul3A_26 : vector<8x32768xi32>
    %slice3A_28 = vector.extract_strided_slice %convert_element_type3A {offsets = [0, 1, 0], sizes = [8, 1, 32768], strides = [1, 1, 1]} : vector<8x3x32768xi32> to vector<8x1x32768xi32>
    %squeeze3A_29 = vector.shape_cast %slice3A_28 : vector<8x1x32768xi32> to vector<8x32768xi32>
    %add3A_30 = arith.addi %mul3A_27, %squeeze3A_29 : vector<8x32768xi32>
    %mul3A_31 = arith.constant 32 : i32
    %mul3A_32 = vector.broadcast %mul3A_31 : i32 to vector<8x32768xi32>
    %mul3A_33 = arith.muli %add3A_30, %mul3A_32 : vector<8x32768xi32>
    %slice3A_34 = vector.extract_strided_slice %convert_element_type3A {offsets = [0, 2, 0], sizes = [8, 1, 32768], strides = [1, 1, 1]} : vector<8x3x32768xi32> to vector<8x1x32768xi32>
    %squeeze3A_35 = vector.shape_cast %slice3A_34 : vector<8x1x32768xi32> to vector<8x32768xi32>
    %add3A_36 = arith.addi %mul3A_33, %squeeze3A_35 : vector<8x32768xi32>
    %swap3A = arith.constant 0 : index
    %swap3A_37 = arith.constant 0 : index
    %swap3A_38 = arith.constant 0 : index
    %swap3A_39 = vector.load %arg1[%swap3A, %swap3A_37, %swap3A_38] : memref<8x3x32768xf32, #tpu.memory_space<vmem>>, vector<8x3x32768xf32>
    tpu.vector_store %arg1[%swap3A, %swap3A_37, %swap3A_38], %min3A_24 {strides = array<i32>} : memref<8x3x32768xf32, #tpu.memory_space<vmem>>, vector<8x3x32768xf32>,
    %swap3A_40 = arith.constant 0 : index
    %swap3A_41 = arith.constant 0 : index
    %swap3A_42 = vector.load %arg2[%swap3A_40, %swap3A_41] : memref<8x32768xi32, #tpu.memory_space<vmem>>, vector<8x32768xi32>
    tpu.vector_store %arg2[%swap3A_40, %swap3A_41], %add3A_36 {strides = array<i32>} : memref<8x32768xi32, #tpu.memory_space<vmem>>, vector<8x32768xi32>,
    return
  }
}

</mosaic_0001>

<sc_bundles>
// kernel: kernel.4.cloned.1.call-start
scs
__scs_entry_jumppad:
0x0: {  	(pc) =	sbr.rel $0x88, $3  }
0x1: {  	(tag) =	ssettag $0x0;
	lr =	simm.s32 $0x1  }
0x2: {  	[smem:$0x3F9F] =	sst lr;
	_ =	strace $0xD0000000  }
0x3: {  	_ = 	snop  }
0x4: {  	_ = 	snop  }
0x5: {  	_ = 	snop  }
0x6: {  	_ = 	snop  }
0x7: {  	_ = 	snop  }
__scs_overlays_trampoline_lowered:
0x8: {  	[smem:$0x3FAE] =	sst s0  }
0x9: {  	[smem:$0x3FAF] =	sst s1  }
0xa: {  	[smem:$0x3FB0] =	sst s2  }
0xb: {  	[smem:$0x3FB1] =	sst s3  }
0xc: {  	[smem:$0x3FB2] =	sst s4  }
0xd: {  	[smem:$0x3FB3] =	sst s5  }
0xe: {  	[smem:$0x3FB4] =	sst s6  }
0xf: {  	[smem:$0x3FB5] =	sst s7  }
0x10: {  	[smem:$0x3FB6] =	sst s8  }
0x11: {  	[smem:$0x3FB7] =	sst s9;
	s0 =	simm.s32 @!p0 $0x0  }
0x12: {  	s1 =	sld [smem:$0x3F9D];
	s0 =	simm.s32 @p0 $0x1  }
0x13: {  	[smem:$0x3FB8] =	sst s0;
	s0 =	simm.s32 @!p1 $0x0  }
0x14: {  	s2 =	sld [smem:$0x3F9C];
	s0 =	simm.s32 @p1 $0x1  }
0x15: {  	[smem:$0x3FB9] =	sst s0;
	s0 =	simm.s32 @!p2 $0x0  }
0x16: {  	s3 =	sld [smem:$0x3FDB];
	s0 =	simm.s32 @p2 $0x1  }
0x17: {  	s4 =	simm.s32 $0x1BF5;
	[smem:$0x3FBB] =	sst s0  }
0x18: {  	s0 =	sld [smem:$0x3F9E];
	_ =	swait.ge [sflag:s4], $0x0  }
0x19: {  	s7 =	sld [smem:$0x3F9F]  }
0x1a: {  	s8 =	sadd.s32 $0xFFFFE003, lr  }
0x1b: {  	s9 =	sadd.s32 $0xFFFFFEF7, lr;
	s5 =	simm.s32 $0xFFFFFFFF;
	p2 =	slt.u32 s8, $0xFFFFF086  }
0x1c: {  	p1 =	slt.u32 s9, $0xF7A;
	s5 =	simm.s32 @!p2 $0x0  }
0x1d: {  	s5 =	simm.s32 @p1 $0x1;
	p0 =	seq.s32 s7, s2  }
0x1e: {  	s7 =	smul.u32 @!p0 $0xF7A, s2;
	p2 =	seq.s32 @!p0 s5, $0x0  }
0x1f: {  	s9 =	smul.u32 $0xF7A, s1;
	s8 =	simm.s32 @!p0 $0x1BF5;
	p2 =	por !p2, p0  }
0x20: {  	[sflag:s8] =	ssyncset.s32 @!p0 $0xFFFFF086;
	s6 =	sadd.s32 @!p0 s3, s7;
	s7 =	simm.s32 @!p0 $0x108  }
0x21: {  	s3 =	sadd.s32 s3, s9;
	s6 =	sadd.s32 @!p0 $0x88, s6;
	s7 =	simm.s32 @p2 $0x1082  }
0x22: {  	[simem:s7], [sflag:s8] =	dma.local @!p0 [hbm:s6], $0xF7A  }
0x23: {  	s9 =	sor.u32 $0xD0000000, s2;
	s6 =	simm.s32 $0x108;
	_ =	swait.ge @!p0 [sflag:s8], $0x0  }
0x24: {  	s3 =	sadd.s32 $0x88, s3;
	s6 =	simm.s32 @!p1 $0x1082;
	[sflag:s4] =	ssyncset.s32 $0xFFFFF086  }
0x25: {  	[simem:s6], [sflag:s4] =	dma.local [hbm:s3], $0xF7A  }
0x26: {  	[smem:$0x3F9F] =	sst s1;
	(tag) =	ssettag s2;
	_ =	strace s9  }
0x27: {  	s1 =	sld [smem:$0x3FAF]  }
0x28: {  	s2 =	sld [smem:$0x3FB0]  }
0x29: {  	s4 =	sld [smem:$0x3FB2]  }
0x2a: {  	p0 =	seq.s32 s5, $0x0;
	s5 =	sld [smem:$0x3FB3]  }
0x2b: {  	s6 =	sld [smem:$0x3FB4]  }
0x2c: {  	s7 =	sld [smem:$0x3FB5]  }
0x2d: {  	s3 =	simm.s32 $0x108;
	s8 =	sld [smem:$0x3FB6]  }
0x2e: {  	s3 =	simm.s32 @!p0 $0x1082;
	s9 =	sld [smem:$0x3FB7]  }
0x2f: {  	lr =	sadd.s32 s0, s3;
	s0 =	sld [smem:$0x3FAE]  }
0x30: {  	s3 =	sld [smem:$0x3FB1]  }
0x31: {  	[smem:$0x3FBA] =	sst s10  }
0x32: {  	s10 =	sld [smem:$0x3FB8];
	_ =	sdelay $0x3  }
0x33: {  	p0 =	seq.s32 s10, $0x1;
	s10 =	sld [smem:$0x3FBA];
	_ =	sdelay $0x3  }
0x34: {  	[smem:$0x3FBA] =	sst s10  }
0x35: {  	s10 =	sld [smem:$0x3FB9];
	_ =	sdelay $0x3  }
0x36: {  	p1 =	seq.s32 s10, $0x1;
	s10 =	sld [smem:$0x3FBA];
	_ =	sdelay $0x3  }
0x37: {  	[smem:$0x3FBA] =	sst s10  }
0x38: {  	s10 =	sld [smem:$0x3FBB]  }
0x39: {  	_ = 	snop;
	(pc) =	sbr.ind lr, $3  }
0x3a: {  	_ = 	snop  }
0x3b: {  	_ = 	snop  }
0x3c: {  	p2 =	seq.s32 s10, $0x1;
	s10 =	sld [smem:$0x3FBA]  }
0x3d: {  	_ =	shalt  }
0x3e: {  	_ =	shalt  }
0x3f: {  	_ =	shalt  }
0x40: {  	_ =	shalt  }
0x41: {  	_ =	shalt  }
0x42: {  	_ =	shalt  }
0x43: {  	_ =	shalt  }
0x44: {  	_ =	shalt  }
0x45: {  	_ =	shalt  }
0x46: {  	_ =	shalt  }
0x47: {  	_ =	shalt  }
0x48: {  	_ =	shalt  }
0x49: {  	_ =	shalt  }
0x4a: {  	_ =	shalt  }
0x4b: {  	_ =	shalt  }
0x4c: {  	_ =	shalt  }
0x4d: {  	_ =	shalt  }
0x4e: {  	_ =	shalt  }
0x4f: {  	_ =	shalt  }
0x50: {  	_ =	shalt  }
0x51: {  	_ =	shalt  }
0x52: {  	_ =	shalt  }
0x53: {  	_ =	shalt  }
0x54: {  	_ =	shalt  }
0x55: {  	_ =	shalt  }
0x56: {  	_ =	shalt  }
0x57: {  	_ =	shalt  }
0x58: {  	_ =	shalt  }
0x59: {  	_ =	shalt  }
0x5a: {  	_ =	shalt  }
0x5b: {  	_ =	shalt  }
0x5c: {  	_ =	shalt  }
0x5d: {  	_ =	shalt  }
0x5e: {  	_ =	shalt  }
0x5f: {  	_ =	shalt  }
0x60: {  	_ =	shalt  }
0x61: {  	_ =	shalt  }
0x62: {  	_ =	shalt  }
0x63: {  	_ =	shalt  }
0x64: {  	_ =	shalt  }
0x65: {  	_ =	shalt  }
0x66: {  	_ =	shalt  }
0x67: {  	_ =	shalt  }
0x68: {  	_ =	shalt  }
0x69: {  	_ =	shalt  }
0x6a: {  	_ =	shalt  }
0x6b: {  	_ =	shalt  }
0x6c: {  	_ =	shalt  }
0x6d: {  	_ =	shalt  }
0x6e: {  	_ =	shalt  }
0x6f: {  	_ =	shalt  }
0x70: {  	_ =	shalt  }
0x71: {  	_ =	shalt  }
0x72: {  	_ =	shalt  }
0x73: {  	_ =	shalt  }
0x74: {  	_ =	shalt  }
0x75: {  	_ =	shalt  }
0x76: {  	_ =	shalt  }
0x77: {  	_ =	shalt  }
0x78: {  	_ =	shalt  }
0x79: {  	_ =	shalt  }
0x7a: {  	_ =	shalt  }
0x7b: {  	_ =	shalt  }
0x7c: {  	_ =	shalt  }
0x7d: {  	_ =	shalt  }
0x7e: {  	_ =	shalt  }
0x7f: {  	_ =	shalt  }
0x80: {  	_ =	shalt  }
0x81: {  	_ =	shalt  }
0x82: {  	_ =	shalt  }
0x83: {  	_ =	shalt  }
0x84: {  	_ =	shalt  }
0x85: {  	_ =	shalt  }
0x86: {  	_ =	shalt  }
0x87: {  	_ =	shalt  }
.Lfunc_end0:
.L_simem_size_0:
called_computation_lowered:
.L_overlay_start_0:
0x88: {  	s2 =	sld [smem:$0x3FD9]  }
0x89: {  	s3 =	sld [smem:$0x3FFE];
	_ =	sdelay $0x1  }
0x8a: {  	s1 =	srdreg.scid  }
0x8b: {  	s0 =	sand.u32 $0x1, s1  }
0x8c: {  	s14 =	sshll.u32 s0, $0xA;
	s2 =	sadd.s32 s3, s2  }
0x8d: {  	s2 =	sadd.s32 s2, s14  }
0x8e: {  	[smem:$0x3FC6] =	sst s2  }
0x8f: {  	_ = 	snop  }
0x90: {  	s2 =	sld [smem:$0x3FD0];
	_ =	sdelay $0x2  }
0x91: {  	s4 =	simm.s32 $0xA;
	s5 =	simm.s32 $0x10;
	s15 =	sld [smem:$0x3FC9]  }
0x92: {  	[smem:s5], [sflag:s4] =	dma.local [hbm:s2], $0x1  }
0x93: {  	_ =	swait.eq [sflag:s4], $0x1  }
0x94: {  	[sflag:s4] =	ssyncset.done $0x0  }
0x95: {  	[sflag:s4] =	ssyncadd.s32 $0xFFFFFFFF  }
0x96: {  	s16 =	sld [smem:$0x10];
	(tm) =	ssettm $0x1  }
0x97: {  	s17 =	sld [smem:$0x3FFB];
	_ =	sdelay $0x3  }
0x98: {  	_ =	strace s17  }
0x99: {  	s4 =	sld [smem:$0x3FFC];
	_ =	sdelay $0x3  }
0x9a: {  	_ =	strace s4  }
0x9b: {  	s4 =	sld [smem:$0x3FFD];
	_ =	sdelay $0x3  }
0x9c: {  	_ =	strace s4  }
0x9d: {  	_ =	strace $0x8FFFFFFF  }
0x9e: {  	s18 =	sld [smem:$0x3FDB];
	_ =	sdelay $0x1  }
0x9f: {  	s19 =	simm.s32 $_scs_section_size  }
0xa0: {  	s6 =	simm.s32 $_size__tile_overlayer_lowered;
	s7 =	simm.s32 $_tile_overlayer_lowered  }
0xa1: {  	s22 =	simm.s32 $0x1BFF;
	s21 =	sshll.u32 s7, $0x1;
	s4 =	sadd.s32 s19, s18  }
0xa2: {  	s8 =	simm.s32 $0x0;
	s20 =	sshll.u32 s6, $0x1;
	s6 =	sadd.s32 s21, s4  }
0xa3: {  	[timem:s8], [sflag:s22] =	dma.local [hbm:s6], s20  }
0xa4: {  	_ =	swait.ge [sflag:s22], s20  }
0xa5: {  	s5 =	ssub.s32 $0x0, s20;
	[sflag:s22] =	ssyncset.done $0x0  }
0xa6: {  	[sflag:s22] =	ssyncadd.s32 s5;
	_ =	sdelay $0x1  }
0xa7: {  	s23 =	simm.s32 $0x1B8B  }
0xa8: {  	_ =	swait.ge [sflag:s23], $0x1  }
0xa9: {  	[sflag:s23] =	ssyncset.done $0x0  }
0xaa: {  	s25 =	simm.s32 $0x1B8E;
	s24 =	sld [smem:$0x3FFE];
	[sflag:s23] =	ssyncadd.s32 $0xFFFFFFFF  }
0xab: {  	s26 =	simm.s32 $execute0_lowered;
	[smem:$0x3FD2] =	sst s25  }
0xac: {  	s6 =	sshll.u32 s26, $0x1;
	_ =	strace $0x80000046;
	[dreg:$0x1] =	wrdreg $0xFFFFFFFF  }
0xad: {  	s28 =	simm.s32 $_size_execute0_lowered;
	s4 =	sadd.s32 s4, s6;
	[dreg:$0x0] =	wrdreg $0x0  }
0xae: {  	s6 =	sshll.u32 s28, $0x1;
	[dreg:$0x2] =	wrdreg s4  }
0xaf: {  	[dreg:$0x3] =	wrdreg s6  }
0xb0: {  	[dreg:$0x4] =	wrdreg $0xC0  }
0xb1: {  	_ =	task [dreg:s8], $0x5FFFF  }
0xb2: {  	[dreg:$0x1] =	wrdreg $0xFFFFFFFF  }
0xb3: {  	[dreg:$0x0] =	wrdreg $0x60  }
0xb4: {  	[dreg:$0x2] =	wrdreg s15  }
0xb5: {  	[dreg:$0x3] =	wrdreg s16  }
0xb6: {  	[dreg:$0x4] =	wrdreg s24  }
0xb7: {  	[dreg:$0x5] =	wrdreg $0x9  }
0xb8: {  	_ =	task.clear_ibuf [dreg:s8], $0x6FFFF;
	_ =	strace $0x90000046  }
0xb9: {  	s29 =	simm.s32 $0x9;
	_ =	strace $0x80000048  }
0xba: {  	_ =	swait.ge [sflag:s29], $0x1  }
0xbb: {  	[sflag:s29] =	ssyncadd.s32 $0xFFFFFFFF  }
0xbc: {  	_ =	strace $0x90000048  }
0xbd: {  	_ =	sfence  }
0xbe: {  	s30 =	sld [smem:$0x0];
	_ =	sdelay $0x2  }
0xbf: {  	s31 =	sshll.u32 s1, $0xD;
	s1 =	sshrl.u32 s1, $0x2  }
0xc0: {  	s3 =	sand.u32 $0x4000, s31;
	s1 =	sadd.s32 s1, s30  }
0xc1: {  	s0 =	sor.u32 s3, s0;
	s1 =	sshll.u32 s1, $0x11  }
0xc2: {  	s0 =	sor.u32 s1, s0  }
0xc3: {  	s0 =	sadd.s32 $0x8F2B, s0  }
0xc4: {  	[sflag:s0] =	ssyncadd.remote.s32 $0x1  }
0xc5: {  	_ =	sfence.sel $0xFFFF  }
0xc6: {  	[dreg:$0x0] =	wrdreg $0xFFFFFFFF;
	(pc) =	sbr.abs _section_cstart, $3  }
0xc7: {  	[dreg:$0x1] =	wrdreg $0xFFFFFFFF  }
0xc8: {  	_ =	task.clear_ibuf [dreg:s8], $0x2FFFF;
	_ =	strace $0x9FFFFFFF  }
0xc9: {  	(tm) =	ssettm $0x7FFFFFFF  }
tec
execute0_lowered:
.L_overlay_start_1:
0x0: {  	(tag) =	ssettag $0x1  }
0x1: {  	s1 =	rddreg [dreg:$0x0]  }
0x2: {  	s5 =	rddreg [dreg:$0x1]  }
0x3: {  	s4 =	rddreg [dreg:$0x2]  }
0x4: {  	s0 =	rddreg [dreg:$0x3]  }
0x5: {  	s3 =	simm.s32 $0x0;
	s6 =	srdreg.scid;
	s2 =	stileid.u32  }
0x6: {  	s12 =	simm.s32 $0x400;
	s13 =	simm.s32 $0x3;
	s14 =	simm.s32 $0x10000  }
0x7: {  	s15 =	simm.s32 $0x1;
	s16 =	simm.s32 $0x2;
	s17 =	simm.s32 $0x0  }
0x8: {  	[smem:$0x7FF] =	sst s3;
	s6 =	sand.u32 $0x1, s6;
	s4 =	sadd.s32 $0x800, s4  }
0x9: {  	s8 =	sshll.u32 s2, $0x1;
	s10 =	sshrl.u32 s2, $0x1;
	_ =	strace $0x80000047  }
0xa: {  	s7 =	ssub.s32 $0x2, s6;
	s8 =	sand.u32 $0x2, s8;
	s30 =	sshll.u32 s10, $0x4  }
0xb: {  	s31 =	sshll.u32 s10, $0x12;
	s9 =	sshrl.u32 s7, $0x1;
	s6 =	sor.u32 s6, s8  }
0xc: {  	s5 =	sadd.s32 s5, s30;
	s8 =	sadd.s32 $0x4000, s1;
	s11 =	ssub.s32 s7, s9  }
0xd: {  	s6 =	sshll.u32 s6, $0x10;
	s7 =	sadd.s32 $0x2000, s1;
	s9 =	sadd.s32 $0x6000, s1  }
0xe: {  	v0 =	vimm.f32 $0.0e+00;
	v1 =	vimm.f32 $1.000000000e+00;
	s6 =	sor.u32 s31, s6;
	s10 =	smax.u32 s11, $0x1;
	s11 =	simm.s32 $0x80  }
.LBB2_1:
0xf: {  	[tilespmem:s3], [sflag:$0x3] =	stream.strided.gather [hbm4b:s5+s11], $0x8000, s12, s11, $0x38;
	[tilespmem:$0x1C000] =	vst v63  }
0x10: {  	_ =	swait.ge [sflag:s13], $0x8000  }
0x11: {  	[sflag:s13] =	ssyncset.done $0x0  }
0x12: {  	s18 =	simm.s32 $0x10040;
	[sflag:s13] =	ssyncadd.s32 $0xFFFF8000  }
0x13: {  	[tilespmem:s18+$0xFFFFFFC0] =	vst v0  }
0x14: {  	[tilespmem:s18+$0x30] =	vst v0  }
0x15: {  	[tilespmem:s18+$0x20] =	vst v0  }
0x16: {  	[tilespmem:s18+$0x10] =	vst v0  }
0x17: {  	[tilespmem:s18+$0x0] =	vst v0  }
0x18: {  	[tilespmem:s18+$0xFFFFFFF0] =	vst v0  }
0x19: {  	s20 =	simm.s32 $0x0;
	[tilespmem:s18+$0xFFFFFFE0] =	vst v0  }
.LBB2_2:
0x1a: {  	s20 =	sadd.s32 $0x80, s20;
	[tilespmem:s18+$0xFFFFFFD0] =	vst v0;
	s18 =	sadd.s32 $0x80, s18;
	s19 =	simm.s32 $0x40  }
0x1b: {  	[tilespmem:s18+$0xFFFFFFC0] =	vst v0;
	p0 =	slt.u32 s20, $0x7F80  }
0x1c: {  	[tilespmem:s18+$0x30] =	vst v0  }
.Ltmp0:
0x1d: {  	[tilespmem:s18+$0x20] =	vst v0;
	(pc) =	sbr.rel @p0 .LBB2_2-.Ltmp0, $4  }
0x1e: {  	[tilespmem:s18+$0x10] =	vst v0  }
0x1f: {  	[tilespmem:s18+$0x0] =	vst v0  }
0x20: {  	[tilespmem:s18+$0xFFFFFFF0] =	vst v0  }
0x21: {  	[tilespmem:s18+$0xFFFFFFE0] =	vst v0  }
0x22: {  	[tilespmem:s18+$0xFFFFFFD0] =	vst v0  }
0x23: {  	v3 =	vld [tilespmem:s19+$0xFFFFFFC0]  }
0x24: {  	v4 =	vld [tilespmem:s19+$0x30]  }
0x25: {  	v5 =	vld [tilespmem:s19+$0x20]  }
0x26: {  	v6 =	vld [tilespmem:s19+$0x10]  }
0x27: {  	v7 =	vld [tilespmem:s19+$0x0]  }
0x28: {  	v8 =	vld [tilespmem:s19+$0xFFFFFFF0]  }
0x29: {  	v9 =	vld [tilespmem:s19+$0xFFFFFFE0]  }
0x2a: {  	v2 =	vld [tilespmem:s19+$0xFFFFFFD0]  }
0x2b: {  	[tilespmem:v3+s14+$0x0] =	vst.idx.add.f32.msk $0xffff, v1  }
0x2c: {  	[tilespmem:v4+s14+$0x0] =	vst.idx.add.f32.msk $0xffff, v1  }
0x2d: {  	[tilespmem:v5+s14+$0x0] =	vst.idx.add.f32.msk $0xffff, v1  }
0x2e: {  	[tilespmem:v6+s14+$0x0] =	vst.idx.add.f32.msk $0xffff, v1  }
0x2f: {  	[tilespmem:v7+s14+$0x0] =	vst.idx.add.f32.msk $0xffff, v1  }
0x30: {  	[tilespmem:v8+s14+$0x0] =	vst.idx.add.f32.msk $0xffff, v1  }
0x31: {  	s20 =	simm.s32 $0x0;
	s18 =	simm.s32 $0x8040;
	s21 =	simm.s32 $0x40;
	[tilespmem:v9+s14+$0x0] =	vst.idx.add.f32.msk $0xffff, v1  }
.LBB2_4:
0x32: {  	s20 =	sadd.s32 $0x80, s20;
	[tilespmem:v2+s14+$0x0] =	vst.idx.add.f32.msk $0xffff, v1;
	s21 =	sadd.s32 $0x80, s21  }
0x33: {  	v3 =	vld [tilespmem:s21+$0xFFFFFFC0];
	p0 =	slt.u32 s20, $0x7F80  }
0x34: {  	v4 =	vld [tilespmem:s21+$0x30]  }
0x35: {  	v5 =	vld [tilespmem:s21+$0x20]  }
0x36: {  	v6 =	vld [tilespmem:s21+$0x10]  }
0x37: {  	v7 =	vld [tilespmem:s21+$0x0]  }
0x38: {  	v8 =	vld [tilespmem:s21+$0xFFFFFFF0]  }
0x39: {  	v9 =	vld [tilespmem:s21+$0xFFFFFFE0]  }
0x3a: {  	v2 =	vld [tilespmem:s21+$0xFFFFFFD0]  }
0x3b: {  	[tilespmem:v3+s14+$0x0] =	vst.idx.add.f32.msk $0xffff, v1  }
0x3c: {  	[tilespmem:v4+s14+$0x0] =	vst.idx.add.f32.msk $0xffff, v1  }
.Ltmp1:
0x3d: {  	[tilespmem:v5+s14+$0x0] =	vst.idx.add.f32.msk $0xffff, v1;
	(pc) =	sbr.rel @p0 .LBB2_4-.Ltmp1, $4  }
0x3e: {  	[tilespmem:v6+s14+$0x0] =	vst.idx.add.f32.msk $0xffff, v1  }
0x3f: {  	[tilespmem:v7+s14+$0x0] =	vst.idx.add.f32.msk $0xffff, v1  }
0x40: {  	[tilespmem:v8+s14+$0x0] =	vst.idx.add.f32.msk $0xffff, v1  }
0x41: {  	[tilespmem:v9+s14+$0x0] =	vst.idx.add.f32.msk $0xffff, v1  }
0x42: {  	_ =	sdelay $0x3  }
0x43: {  	[tilespmem:v2+s14+$0x0] =	vst.idx.add.f32.msk $0xffff, v1  }
0x44: {  	v2 =	vld [tilespmem:s19+$0x30]  }
0x45: {  	v3 =	vld [tilespmem:s19+$0xFFFFFFD0]  }
0x46: {  	v4 =	vld [tilespmem:s19+$0xFFFFFFE0]  }
0x47: {  	v5 =	vld [tilespmem:s19+$0xFFFFFFF0]  }
0x48: {  	v6 =	vld [tilespmem:s19+$0x0]  }
0x49: {  	v7 =	vld [tilespmem:s19+$0x10]  }
0x4a: {  	v8 =	vld [tilespmem:s19+$0x20]  }
0x4b: {  	v9 =	vld [tilespmem:s19+$0xFFFFFFC0]  }
0x4c: {  	v2 =	vld.idx.msk [tilespmem:v2+s14+$0x0], $0xffff  }
0x4d: {  	v3 =	vld.idx.msk [tilespmem:v3+s14+$0x0], $0xffff  }
0x4e: {  	v4 =	vld.idx.msk [tilespmem:v4+s14+$0x0], $0xffff  }
0x4f: {  	v5 =	vld.idx.msk [tilespmem:v5+s14+$0x0], $0xffff  }
0x50: {  	v6 =	vld.idx.msk [tilespmem:v6+s14+$0x0], $0xffff  }
0x51: {  	v7 =	vld.idx.msk [tilespmem:v7+s14+$0x0], $0xffff  }
0x52: {  	v8 =	vld.idx.msk [tilespmem:v8+s14+$0x0], $0xffff;
	v2 =	vmax.f32 v2, $1.000000000e+00  }
0x53: {  	s31 =	simm.s32 $0xC0;
	v9 =	vld.idx.msk [tilespmem:v9+s14+$0x0], $0xffff;
	v3 =	vmax.f32 v3, $1.000000000e+00;
	(erf) = vrcp.f32 v2  }
0x54: {  	v4 =	vmax.f32 v4, $1.000000000e+00;
	v2 =	vld [tilespmem:s31+$0x30];
	(erf) = vrcp.f32 v3  }
0x55: {  	v5 =	vmax.f32 v5, $1.000000000e+00;
	v3 =	vld [tilespmem:s31+$0xFFFFFFD0];
	(erf) = vrcp.f32 v4  }
0x56: {  	v6 =	vmax.f32 v6, $1.000000000e+00;
	v4 =	vld [tilespmem:s31+$0xFFFFFFE0];
	(erf) = vrcp.f32 v5  }
0x57: {  	v7 =	vmax.f32 v7, $1.000000000e+00;
	v5 =	vld [tilespmem:s31+$0xFFFFFFF0];
	(erf) = vrcp.f32 v6  }
0x58: {  	v8 =	vmax.f32 v8, $1.000000000e+00;
	v6 =	vld [tilespmem:s31+$0x0];
	(erf) = vrcp.f32 v7  }
0x59: {  	(erf) = vrcp.f32 v8;
	v8 =	vld [tilespmem:s31+$0x20]  }
0x5a: {  	v9 =	vmax.f32 v9, $1.000000000e+00;
	v7 =	vld [tilespmem:s31+$0x10]  }
0x5b: {  	(erf) = vrcp.f32 v9;
	v9 =	vld [tilespmem:s31+$0xFFFFFFC0]  }
0x5c: {  	v10 =	vld.idx.msk [tilespmem:v2+s14+$0x0], $0xffff;
	v2 =	vpop (erf)  }
0x5d: {  	v11 =	vld.idx.msk [tilespmem:v3+s14+$0x0], $0xffff;
	[tilespmem:s18+$0x30] =	vst v2;
	v2 =	vpop (erf)  }
0x5e: {  	v3 =	vld.idx.msk [tilespmem:v4+s14+$0x0], $0xffff;
	v4 =	vpop (erf)  }
0x5f: {  	[tilespmem:s18+$0xFFFFFFD0] =	vst v2;
	v2 =	vld.idx.msk [tilespmem:v5+s14+$0x0], $0xffff;
	v5 =	vpop (erf)  }
0x60: {  	[tilespmem:s18+$0xFFFFFFE0] =	vst v4;
	v4 =	vld.idx.msk [tilespmem:v6+s14+$0x0], $0xffff;
	v6 =	vpop (erf)  }
0x61: {  	[tilespmem:s18+$0x0] =	vst v6;
	v6 =	vld.idx.msk [tilespmem:v8+s14+$0x0], $0xffff;
	v8 =	vmax.f32 v10, $1.000000000e+00  }
0x62: {  	[tilespmem:s18+$0xFFFFFFF0] =	vst v5;
	v5 =	vld.idx.msk [tilespmem:v7+s14+$0x0], $0xffff;
	v7 =	vpop (erf)  }
0x63: {  	[tilespmem:s18+$0x10] =	vst v7;
	v10 =	vpop (erf)  }
0x64: {  	s20 =	simm.s32 $0x140;
	s19 =	simm.s32 $0x80;
	v7 =	vld.idx.msk [tilespmem:v9+s14+$0x0], $0xffff;
	v9 =	vmax.f32 v11, $1.000000000e+00;
	(erf) = vrcp.f32 v8;
	[tilespmem:s18+$0x20] =	vst v10;
	v8 =	vpop (erf)  }
.LBB2_6:
0x65: {  	v10 =	vld [tilespmem:s20+$0x30];
	s19 =	sadd.s32 $0x80, s19;
	v3 =	vmax.f32 v3, $1.000000000e+00;
	(erf) = vrcp.f32 v9;
	[tilespmem:s18+$0xFFFFFFC0] =	vst v8  }
0x66: {  	v2 =	vmax.f32 v2, $1.000000000e+00;
	v8 =	vld [tilespmem:s20+$0xFFFFFFD0];
	p0 =	slt.u32 s19, $0x7F80;
	(erf) = vrcp.f32 v3  }
0x67: {  	v4 =	vmax.f32 v4, $1.000000000e+00;
	v3 =	vld [tilespmem:s20+$0xFFFFFFE0];
	(erf) = vrcp.f32 v2  }
0x68: {  	v5 =	vmax.f32 v5, $1.000000000e+00;
	v2 =	vld [tilespmem:s20+$0xFFFFFFF0];
	(erf) = vrcp.f32 v4  }
0x69: {  	v6 =	vmax.f32 v6, $1.000000000e+00;
	v4 =	vld [tilespmem:s20+$0x0];
	(erf) = vrcp.f32 v5  }
0x6a: {  	v7 =	vmax.f32 v7, $1.000000000e+00;
	v5 =	vld [tilespmem:s20+$0x10];
	(erf) = vrcp.f32 v6  }
0x6b: {  	v6 =	vld [tilespmem:s20+$0x20];
	(erf) = vrcp.f32 v7  }
0x6c: {  	v7 =	vld [tilespmem:s20+$0xFFFFFFC0]  }
0x6d: {  	s18 =	sadd.s32 $0x80, s18;
	v9 =	vld.idx.msk [tilespmem:v10+s14+$0x0], $0xffff;
	v10 =	vpop (erf)  }
0x6e: {  	v8 =	vld.idx.msk [tilespmem:v8+s14+$0x0], $0xffff;
	[tilespmem:s18+$0x30] =	vst v10;
	v10 =	vpop (erf)  }
0x6f: {  	v3 =	vld.idx.msk [tilespmem:v3+s14+$0x0], $0xffff;
	[tilespmem:s18+$0xFFFFFFD0] =	vst v10;
	v10 =	vpop (erf)  }
.Ltmp2:
0x70: {  	v2 =	vld.idx.msk [tilespmem:v2+s14+$0x0], $0xffff;
	[tilespmem:s18+$0xFFFFFFE0] =	vst v10;
	v10 =	vpop (erf);
	(pc) =	sbr.rel @p0 .LBB2_6-.Ltmp2, $4  }
0x71: {  	v4 =	vld.idx.msk [tilespmem:v4+s14+$0x0], $0xffff;
	[tilespmem:s18+$0xFFFFFFF0] =	vst v10;
	v10 =	vpop (erf)  }
0x72: {  	v5 =	vld.idx.msk [tilespmem:v5+s14+$0x0], $0xffff;
	[tilespmem:s18+$0x0] =	vst v10;
	v10 =	vpop (erf)  }
0x73: {  	v11 =	vmax.f32 v9, $1.000000000e+00;
	v6 =	vld.idx.msk [tilespmem:v6+s14+$0x0], $0xffff;
	[tilespmem:s18+$0x10] =	vst v10;
	v10 =	vpop (erf)  }
0x74: {  	s20 =	sadd.s32 $0x80, s20;
	v9 =	vmax.f32 v8, $1.000000000e+00;
	v7 =	vld.idx.msk [tilespmem:v7+s14+$0x0], $0xffff;
	(erf) = vrcp.f32 v11;
	[tilespmem:s18+$0x20] =	vst v10;
	v8 =	vpop (erf)  }
0x75: {  	v3 =	vmax.f32 v3, $1.000000000e+00;
	(erf) = vrcp.f32 v9  }
0x76: {  	v2 =	vmax.f32 v2, $1.000000000e+00;
	(erf) = vrcp.f32 v3  }
0x77: {  	v3 =	vmax.f32 v4, $1.000000000e+00;
	(erf) = vrcp.f32 v2  }
0x78: {  	v2 =	vmax.f32 v5, $1.000000000e+00;
	(erf) = vrcp.f32 v3  }
0x79: {  	v3 =	vmax.f32 v6, $1.000000000e+00;
	(erf) = vrcp.f32 v2  }
0x7a: {  	v2 =	vmax.f32 v7, $1.000000000e+00;
	(erf) = vrcp.f32 v3  }
0x7b: {  	(erf) = vrcp.f32 v2;
	_ =	sdelay $0x1  }
0x7c: {  	[tilespmem:s18+$0xFFFFFFC0] =	vst v8;
	s19 =	sadd.s32 $0x80, s18;
	v2 =	vpop (erf)  }
0x7d: {  	[tilespmem:s19+$0x30] =	vst v2;
	v2 =	vpop (erf)  }
0x7e: {  	[tilespmem:s19+$0xFFFFFFD0] =	vst v2;
	v2 =	vpop (erf)  }
0x7f: {  	[tilespmem:s19+$0xFFFFFFE0] =	vst v2;
	v2 =	vpop (erf)  }
0x80: {  	[tilespmem:s19+$0xFFFFFFF0] =	vst v2;
	v2 =	vpop (erf)  }
0x81: {  	[tilespmem:s19+$0x0] =	vst v2;
	v2 =	vpop (erf)  }
0x82: {  	[tilespmem:s19+$0x10] =	vst v2;
	v2 =	vpop (erf)  }
0x83: {  	[tilespmem:s19+$0x20] =	vst v2;
	v2 =	vpop (erf)  }
0x84: {  	s18 =	simm.s32 $0x0;
	[tilespmem:s19+$0xFFFFFFC0] =	vst v2  }
.LBB2_8:
0x85: {  	s20 =	simm.s32 $0x10040  }
0x86: {  	[tilespmem:s20+$0xFFFFFFC0] =	vst v0  }
0x87: {  	[tilespmem:s20+$0x30] =	vst v0  }
0x88: {  	[tilespmem:s20+$0x20] =	vst v0  }
0x89: {  	[tilespmem:s20+$0x10] =	vst v0  }
0x8a: {  	[tilespmem:s20+$0x0] =	vst v0  }
0x8b: {  	[tilespmem:s20+$0xFFFFFFF0] =	vst v0  }
0x8c: {  	s19 =	simm.s32 $0x0;
	[tilespmem:s20+$0xFFFFFFE0] =	vst v0  }
.LBB2_9:
0x8d: {  	s19 =	sadd.s32 $0x80, s19;
	[tilespmem:s20+$0xFFFFFFD0] =	vst v0;
	s20 =	sadd.s32 $0x80, s20  }
0x8e: {  	[tilespmem:s20+$0xFFFFFFC0] =	vst v0;
	p0 =	slt.u32 s19, $0x7F80  }
0x8f: {  	[tilespmem:s20+$0x30] =	vst v0  }
.Ltmp3:
0x90: {  	[tilespmem:s20+$0x20] =	vst v0;
	(pc) =	sbr.rel @p0 .LBB2_9-.Ltmp3, $4  }
0x91: {  	[tilespmem:s20+$0x10] =	vst v0  }
0x92: {  	[tilespmem:s20+$0x0] =	vst v0  }
0x93: {  	[tilespmem:s20+$0xFFFFFFF0] =	vst v0  }
0x94: {  	[tilespmem:s20+$0xFFFFFFE0] =	vst v0  }
0x95: {  	s19 =	sshll.u32 s18, $0xC  }
0x96: {  	s21 =	sshll.u32 s18, $0x4;
	s19 =	sand.u32 $0x8000, s19  }
0x97: {  	s21 =	sand.u32 $0x70, s21;
	s19 =	sor.u32 s6, s19  }
0x98: {  	s19 =	sor.u32 s21, s19  }
0x99: {  	s22 =	simm.s32 $0x18000;
	s21 =	sadd.s32 s1, s19  }
0x9a: {  	[tilespmem:s20+$0xFFFFFFD0] =	vst v0;
	s20 =	simm.s32 $0x80;
	s23 =	simm.s32 $0x18100;
	s24 =	sadd.s32 $0x0, s21  }
.LBB2_11:
0x9b: {  	[tilespmem:s22], [sflag:$0x1] =	stream.linear.gather [hbm4b:s24+s3], $0x80, $0x38;
	[tilespmem:$0x1C000] =	vst v63  }
0x9c: {  	s24 =	smov.u32 s20;
	s22 =	smov.u32 s23;
	p0 =	sne.s32 s20, $0x1F80  }
.Ltmp4:
0x9d: {  	s20 =	sadd.s32 $0x80, s20;
	(pc) =	sbr.rel @p0 .LBB2_11-.Ltmp4, $2  }
0x9e: {  	_ =	sdelay $0x2  }
0x9f: {  	s23 =	sadd.s32 $0x100, s23;
	s24 =	sadd.s32 s24, s21  }
0xa0: {  	[tilespmem:s22], [sflag:$0x1] =	stream.linear.gather [hbm4b:s24+s3], $0x80, $0x38;
	[tilespmem:$0x1C000] =	vst v63  }
0xa1: {  	s20 =	sadd.s32 s19, s7;
	s21 =	simm.s32 $0x18080  }
0xa2: {  	s22 =	simm.s32 $0x80;
	s23 =	simm.s32 $0x18180;
	s24 =	sadd.s32 $0x0, s20  }
.LBB2_13:
0xa3: {  	[tilespmem:s21], [sflag:$0x2] =	stream.linear.gather [hbm4b:s24+s3], $0x80, $0x38;
	[tilespmem:$0x1C000] =	vst v63  }
0xa4: {  	s24 =	smov.u32 s22;
	s21 =	smov.u32 s23;
	p0 =	sne.s32 s22, $0x1F80  }
.Ltmp5:
0xa5: {  	s22 =	sadd.s32 $0x80, s22;
	(pc) =	sbr.rel @p0 .LBB2_13-.Ltmp5, $2  }
0xa6: {  	_ =	sdelay $0x2  }
0xa7: {  	s23 =	sadd.s32 $0x100, s23;
	s24 =	sadd.s32 s24, s20  }
0xa8: {  	[tilespmem:s21], [sflag:$0x2] =	stream.linear.gather [hbm4b:s24+s3], $0x80, $0x38;
	[tilespmem:$0x1C000] =	vst v63  }
0xa9: {  	_ =	swait.ge [sflag:s15], $0x2000  }
0xaa: {  	[sflag:s15] =	ssyncset.done $0x0  }
0xab: {  	s22 =	simm.s32 $0x18040;
	[sflag:s15] =	ssyncadd.s32 $0xFFFFE000  }
0xac: {  	s20 =	simm.s32 $0x40;
	v2 =	vld [tilespmem:s22+$0x30]  }
0xad: {  	s21 =	simm.s32 $0x8040;
	v3 =	vld [tilespmem:s20+$0x30]  }
0xae: {  	v4 =	vld [tilespmem:s21+$0x30]  }
0xaf: {  	v5 =	vld [tilespmem:s22+$0xFFFFFFD0]  }
0xb0: {  	v6 =	vld [tilespmem:s21+$0xFFFFFFD0]  }
0xb1: {  	v7 =	vld [tilespmem:s22+$0xFFFFFFE0]  }
0xb2: {  	v8 =	vld [tilespmem:s22+$0x0]  }
0xb3: {  	v9 =	vld [tilespmem:s20+$0xFFFFFFD0]  }
0xb4: {  	v10 =	vld [tilespmem:s21+$0x0]  }
0xb5: {  	v11 =	vld [tilespmem:s22+$0x10]  }
0xb6: {  	v12 =	vld [tilespmem:s21+$0x10]  }
0xb7: {  	v13 =	vld [tilespmem:s20+$0xFFFFFFE0]  }
0xb8: {  	v14 =	vld [tilespmem:s22+$0x20]  }
0xb9: {  	v59 =	vld [tilespmem:s21+$0x20]  }
0xba: {  	v15 =	vld [tilespmem:s20+$0xFFFFFFF0]  }
0xbb: {  	v60 =	vld [tilespmem:s20+$0x10]  }
0xbc: {  	v61 =	vld [tilespmem:s20+$0x20];
	v2 =	vmul.f32 v4, v2  }
0xbd: {  	v4 =	vld [tilespmem:s21+$0xFFFFFFE0]  }
0xbe: {  	[tilespmem:v3+s14+$0x0] =	vst.idx.add.f32.msk $0xffff, v2  }
0xbf: {  	v5 =	vmul.f32 v6, v5;
	v2 =	vld [tilespmem:s22+$0xFFFFFFF0]  }
0xc0: {  	v3 =	vld [tilespmem:s21+$0xFFFFFFF0]  }
0xc1: {  	[tilespmem:v9+s14+$0x0] =	vst.idx.add.f32.msk $0xffff, v5  }
0xc2: {  	v5 =	vld [tilespmem:s20+$0x0];
	v4 =	vmul.f32 v4, v7  }
0xc3: {  	v62 =	vld [tilespmem:s21+$0xFFFFFFC0]  }
0xc4: {  	v63 =	vmul.f32 v12, v11;
	[tilespmem:v13+s14+$0x0] =	vst.idx.add.f32.msk $0xffff, v4  }
0xc5: {  	v6 =	vmul.f32 v59, v14;
	v4 =	vld [tilespmem:s22+$0xFFFFFFC0]  }
0xc6: {  	[tilespmem:v60+s14+$0x0] =	vst.idx.add.f32.msk $0xffff, v63  }
0xc7: {  	[tilespmem:v61+s14+$0x0] =	vst.idx.add.f32.msk $0xffff, v6;
	v2 =	vmul.f32 v3, v2  }
0xc8: {  	v8 =	vmul.f32 v10, v8;
	v3 =	vld [tilespmem:s20+$0xFFFFFFC0]  }
0xc9: {  	[tilespmem:v15+s14+$0x0] =	vst.idx.add.f32.msk $0xffff, v2  }
0xca: {  	s23 =	simm.s32 $0x18140;
	s22 =	simm.s32 $0x0;
	[tilespmem:v5+s14+$0x0] =	vst.idx.add.f32.msk $0xffff, v8;
	v2 =	vmul.f32 v62, v4  }
.LBB2_15:
0xcb: {  	v4 =	vld [tilespmem:s23+$0x30];
	s20 =	sadd.s32 $0x80, s20  }
0xcc: {  	s22 =	sadd.s32 $0x80, s22;
	s21 =	sadd.s32 $0x80, s21;
	v5 =	vld [tilespmem:s20+$0x30]  }
0xcd: {  	p0 =	slt.u32 s22, $0x1F80;
	v6 =	vld [tilespmem:s21+$0x30]  }
0xce: {  	v7 =	vld [tilespmem:s23+$0xFFFFFFC0]  }
0xcf: {  	v8 =	vld [tilespmem:s21+$0xFFFFFFC0]  }
0xd0: {  	v9 =	vld [tilespmem:s23+$0xFFFFFFD0]  }
0xd1: {  	v10 =	vld [tilespmem:s21+$0xFFFFFFD0]  }
0xd2: {  	v11 =	vld [tilespmem:s23+$0xFFFFFFE0];
	v4 =	vmul.f32 v6, v4  }
0xd3: {  	v6 =	vld [tilespmem:s21+$0xFFFFFFE0]  }
0xd4: {  	v7 =	vmul.f32 v8, v7;
	[tilespmem:v5+s14+$0x0] =	vst.idx.add.f32.msk $0xffff, v4  }
0xd5: {  	v4 =	vld [tilespmem:s23+$0xFFFFFFF0]  }
0xd6: {  	v5 =	vmul.f32 v10, v9;
	v8 =	vld [tilespmem:s21+$0xFFFFFFF0]  }
0xd7: {  	v9 =	vld [tilespmem:s23+$0x0]  }
0xd8: {  	v6 =	vmul.f32 v6, v11;
	v10 =	vld [tilespmem:s21+$0x0]  }
0xd9: {  	v11 =	vld [tilespmem:s23+$0x10]  }
0xda: {  	v12 =	vld [tilespmem:s21+$0x10]  }
0xdb: {  	v4 =	vmul.f32 v8, v4;
	v8 =	vld [tilespmem:s23+$0x20]  }
0xdc: {  	v13 =	vld [tilespmem:s21+$0x20]  }
0xdd: {  	v14 =	vld [tilespmem:s20+$0xFFFFFFD0];
	v9 =	vmul.f32 v10, v9  }
0xde: {  	v10 =	vld [tilespmem:s20+$0xFFFFFFE0]  }
0xdf: {  	v15 =	vld [tilespmem:s20+$0xFFFFFFF0];
	v11 =	vmul.f32 v12, v11  }
0xe0: {  	v12 =	vld [tilespmem:s20+$0x0]  }
0xe1: {  	v16 =	vld [tilespmem:s20+$0x10];
	v8 =	vmul.f32 v13, v8  }
0xe2: {  	v13 =	vld [tilespmem:s20+$0x20]  }
0xe3: {  	v17 =	vld [tilespmem:s20+$0xFFFFFFC0]  }
0xe4: {  	[tilespmem:v3+s14+$0x0] =	vst.idx.add.f32.msk $0xffff, v2;
	v2 =	vmov v7  }
0xe5: {  	[tilespmem:v14+s14+$0x0] =	vst.idx.add.f32.msk $0xffff, v5  }
.Ltmp6:
0xe6: {  	[tilespmem:v10+s14+$0x0] =	vst.idx.add.f32.msk $0xffff, v6;
	(pc) =	sbr.rel @p0 .LBB2_15-.Ltmp6, $4  }
0xe7: {  	[tilespmem:v15+s14+$0x0] =	vst.idx.add.f32.msk $0xffff, v4  }
0xe8: {  	[tilespmem:v12+s14+$0x0] =	vst.idx.add.f32.msk $0xffff, v9;
	v3 =	vmov v17  }
0xe9: {  	[tilespmem:v16+s14+$0x0] =	vst.idx.add.f32.msk $0xffff, v11  }
0xea: {  	s23 =	sadd.s32 $0x100, s23;
	[tilespmem:v13+s14+$0x0] =	vst.idx.add.f32.msk $0xffff, v8  }
0xeb: {  	_ =	sdelay $0x2  }
0xec: {  	s20 =	sadd.s32 s19, s8;
	s21 =	simm.s32 $0x18000  }
0xed: {  	[tilespmem:v3+s14+$0x0] =	vst.idx.add.f32.msk $0xffff, v2;
	s22 =	simm.s32 $0x80;
	s23 =	simm.s32 $0x18100;
	s24 =	sadd.s32 $0x0, s20  }
.LBB2_17:
0xee: {  	[tilespmem:s21], [sflag:$0x1] =	stream.linear.gather [hbm4b:s24+s3], $0x80, $0x38;
	[tilespmem:$0x1C000] =	vst v63  }
0xef: {  	s24 =	smov.u32 s22;
	s21 =	smov.u32 s23;
	p0 =	sne.s32 s22, $0x1F80  }
.Ltmp7:
0xf0: {  	s22 =	sadd.s32 $0x80, s22;
	(pc) =	sbr.rel @p0 .LBB2_17-.Ltmp7, $2  }
0xf1: {  	_ =	sdelay $0x2  }
0xf2: {  	s23 =	sadd.s32 $0x100, s23;
	s24 =	sadd.s32 s24, s20  }
0xf3: {  	[tilespmem:s21], [sflag:$0x1] =	stream.linear.gather [hbm4b:s24+s3], $0x80, $0x38;
	[tilespmem:$0x1C000] =	vst v63  }
0xf4: {  	_ =	swait.ge [sflag:s16], $0x2000  }
0xf5: {  	[sflag:s16] =	ssyncset.done $0x0  }
0xf6: {  	s22 =	simm.s32 $0x180F0;
	[sflag:s16] =	ssyncadd.s32 $0xFFFFE000  }
0xf7: {  	s20 =	simm.s32 $0x2070;
	v2 =	vld [tilespmem:s22+$0x0]  }
0xf8: {  	s21 =	simm.s32 $0xA070;
	v3 =	vld [tilespmem:s20+$0x0]  }
0xf9: {  	v4 =	vld [tilespmem:s21+$0x0]  }
0xfa: {  	v5 =	vld [tilespmem:s22+$0xFFFFFFA0]  }
0xfb: {  	v6 =	vld [tilespmem:s21+$0xFFFFFFA0]  }
0xfc: {  	v7 =	vld [tilespmem:s22+$0xFFFFFFB0]  }
0xfd: {  	v8 =	vld [tilespmem:s22+$0xFFFFFFD0]  }
0xfe: {  	v9 =	vld [tilespmem:s20+$0xFFFFFFA0]  }
0xff: {  	v10 =	vld [tilespmem:s21+$0xFFFFFFD0]  }
0x100: {  	v11 =	vld [tilespmem:s22+$0xFFFFFFE0]  }
0x101: {  	v12 =	vld [tilespmem:s21+$0xFFFFFFE0]  }
0x102: {  	v13 =	vld [tilespmem:s20+$0xFFFFFFB0]  }
0x103: {  	v14 =	vld [tilespmem:s22+$0xFFFFFFF0]  }
0x104: {  	v59 =	vld [tilespmem:s21+$0xFFFFFFF0]  }
0x105: {  	v15 =	vld [tilespmem:s20+$0xFFFFFFC0]  }
0x106: {  	v60 =	vld [tilespmem:s20+$0xFFFFFFE0]  }
0x107: {  	v61 =	vld [tilespmem:s20+$0xFFFFFFF0];
	v2 =	vmul.f32 v4, v2  }
0x108: {  	v4 =	vld [tilespmem:s21+$0xFFFFFFB0]  }
0x109: {  	[tilespmem:v3+s14+$0x0] =	vst.idx.add.f32.msk $0xffff, v2  }
0x10a: {  	v5 =	vmul.f32 v6, v5;
	v2 =	vld [tilespmem:s22+$0xFFFFFFC0]  }
0x10b: {  	v3 =	vld [tilespmem:s21+$0xFFFFFFC0]  }
0x10c: {  	[tilespmem:v9+s14+$0x0] =	vst.idx.add.f32.msk $0xffff, v5  }
0x10d: {  	v5 =	vld [tilespmem:s20+$0xFFFFFFD0];
	v4 =	vmul.f32 v4, v7  }
0x10e: {  	v62 =	vld [tilespmem:s21+$0xFFFFFF90]  }
0x10f: {  	v63 =	vmul.f32 v12, v11;
	[tilespmem:v13+s14+$0x0] =	vst.idx.add.f32.msk $0xffff, v4  }
0x110: {  	v6 =	vmul.f32 v59, v14;
	v4 =	vld [tilespmem:s22+$0xFFFFFF90]  }
0x111: {  	[tilespmem:v60+s14+$0x0] =	vst.idx.add.f32.msk $0xffff, v63  }
0x112: {  	[tilespmem:v61+s14+$0x0] =	vst.idx.add.f32.msk $0xffff, v6;
	v2 =	vmul.f32 v3, v2  }
0x113: {  	v8 =	vmul.f32 v10, v8;
	v3 =	vld [tilespmem:s20+$0xFFFFFF90]  }
0x114: {  	[tilespmem:v15+s14+$0x0] =	vst.idx.add.f32.msk $0xffff, v2  }
0x115: {  	s23 =	simm.s32 $0x181F0;
	s22 =	simm.s32 $0x0;
	[tilespmem:v5+s14+$0x0] =	vst.idx.add.f32.msk $0xffff, v8;
	v2 =	vmul.f32 v62, v4  }
.LBB2_19:
0x116: {  	v4 =	vld [tilespmem:s23+$0x0];
	s20 =	sadd.s32 $0x80, s20  }
0x117: {  	s22 =	sadd.s32 $0x80, s22;
	s21 =	sadd.s32 $0x80, s21;
	v5 =	vld [tilespmem:s20+$0x0]  }
0x118: {  	p0 =	slt.u32 s22, $0x1F80;
	v6 =	vld [tilespmem:s21+$0x0]  }
0x119: {  	v7 =	vld [tilespmem:s23+$0xFFFFFF90]  }
0x11a: {  	v8 =	vld [tilespmem:s21+$0xFFFFFF90]  }
0x11b: {  	v9 =	vld [tilespmem:s23+$0xFFFFFFA0]  }
0x11c: {  	v10 =	vld [tilespmem:s21+$0xFFFFFFA0]  }
0x11d: {  	v11 =	vld [tilespmem:s23+$0xFFFFFFB0];
	v4 =	vmul.f32 v6, v4  }
0x11e: {  	v6 =	vld [tilespmem:s21+$0xFFFFFFB0]  }
0x11f: {  	v7 =	vmul.f32 v8, v7;
	[tilespmem:v5+s14+$0x0] =	vst.idx.add.f32.msk $0xffff, v4  }
0x120: {  	v4 =	vld [tilespmem:s23+$0xFFFFFFC0]  }
0x121: {  	v5 =	vmul.f32 v10, v9;
	v8 =	vld [tilespmem:s21+$0xFFFFFFC0]  }
0x122: {  	v9 =	vld [tilespmem:s23+$0xFFFFFFD0]  }
0x123: {  	v6 =	vmul.f32 v6, v11;
	v10 =	vld [tilespmem:s21+$0xFFFFFFD0]  }
0x124: {  	v11 =	vld [tilespmem:s23+$0xFFFFFFE0]  }
0x125: {  	v12 =	vld [tilespmem:s21+$0xFFFFFFE0]  }
0x126: {  	v4 =	vmul.f32 v8, v4;
	v8 =	vld [tilespmem:s23+$0xFFFFFFF0]  }
0x127: {  	v13 =	vld [tilespmem:s21+$0xFFFFFFF0]  }
0x128: {  	v14 =	vld [tilespmem:s20+$0xFFFFFFA0];
	v9 =	vmul.f32 v10, v9  }
0x129: {  	v10 =	vld [tilespmem:s20+$0xFFFFFFB0]  }
0x12a: {  	v15 =	vld [tilespmem:s20+$0xFFFFFFC0];
	v11 =	vmul.f32 v12, v11  }
0x12b: {  	v12 =	vld [tilespmem:s20+$0xFFFFFFD0]  }
0x12c: {  	v16 =	vld [tilespmem:s20+$0xFFFFFFE0];
	v8 =	vmul.f32 v13, v8  }
0x12d: {  	v13 =	vld [tilespmem:s20+$0xFFFFFFF0]  }
0x12e: {  	v17 =	vld [tilespmem:s20+$0xFFFFFF90]  }
0x12f: {  	[tilespmem:v3+s14+$0x0] =	vst.idx.add.f32.msk $0xffff, v2;
	v2 =	vmov v7  }
0x130: {  	[tilespmem:v14+s14+$0x0] =	vst.idx.add.f32.msk $0xffff, v5  }
.Ltmp8:
0x131: {  	[tilespmem:v10+s14+$0x0] =	vst.idx.add.f32.msk $0xffff, v6;
	(pc) =	sbr.rel @p0 .LBB2_19-.Ltmp8, $4  }
0x132: {  	[tilespmem:v15+s14+$0x0] =	vst.idx.add.f32.msk $0xffff, v4  }
0x133: {  	[tilespmem:v12+s14+$0x0] =	vst.idx.add.f32.msk $0xffff, v9;
	v3 =	vmov v17  }
0x134: {  	[tilespmem:v16+s14+$0x0] =	vst.idx.add.f32.msk $0xffff, v11  }
0x135: {  	s23 =	sadd.s32 $0x100, s23;
	[tilespmem:v13+s14+$0x0] =	vst.idx.add.f32.msk $0xffff, v8  }
0x136: {  	_ =	sdelay $0x2  }
0x137: {  	s20 =	sadd.s32 s19, s9;
	s21 =	simm.s32 $0x18080  }
0x138: {  	[tilespmem:v3+s14+$0x0] =	vst.idx.add.f32.msk $0xffff, v2;
	s22 =	simm.s32 $0x80;
	s23 =	simm.s32 $0x18180;
	s24 =	sadd.s32 $0x0, s20  }
.LBB2_21:
0x139: {  	[tilespmem:s21], [sflag:$0x2] =	stream.linear.gather [hbm4b:s24+s3], $0x80, $0x38;
	[tilespmem:$0x1C000] =	vst v63  }
0x13a: {  	s24 =	smov.u32 s22;
	s21 =	smov.u32 s23;
	p0 =	sne.s32 s22, $0x1F80  }
.Ltmp9:
0x13b: {  	s22 =	sadd.s32 $0x80, s22;
	(pc) =	sbr.rel @p0 .LBB2_21-.Ltmp9, $2  }
0x13c: {  	_ =	sdelay $0x2  }
0x13d: {  	s23 =	sadd.s32 $0x100, s23;
	s24 =	sadd.s32 s24, s20  }
0x13e: {  	[tilespmem:s21], [sflag:$0x2] =	stream.linear.gather [hbm4b:s24+s3], $0x80, $0x38;
	[tilespmem:$0x1C000] =	vst v63  }
0x13f: {  	_ =	swait.ge [sflag:s15], $0x2000  }
0x140: {  	[sflag:s15] =	ssyncset.done $0x0  }
0x141: {  	s20 =	simm.s32 $0x18040;
	[sflag:s15] =	ssyncadd.s32 $0xFFFFE000  }
0x142: {  	s31 =	simm.s32 $0x0;
	v2 =	vld [tilespmem:s20+$0x30]  }
0x143: {  	v3 =	vld [tilespmem:s31+$0x4070]  }
0x144: {  	v4 =	vld [tilespmem:s31+$0xC070]  }
0x145: {  	v5 =	vld [tilespmem:s31+$0xC000]  }
0x146: {  	v6 =	vld [tilespmem:s31+$0xC010]  }
0x147: {  	v7 =	vld [tilespmem:s31+$0xC020]  }
0x148: {  	v8 =	vld [tilespmem:s31+$0xC030]  }
0x149: {  	v9 =	vld [tilespmem:s31+$0xC040]  }
0x14a: {  	v10 =	vld [tilespmem:s20+$0xFFFFFFD0]  }
0x14b: {  	v11 =	vld [tilespmem:s20+$0xFFFFFFE0]  }
0x14c: {  	v12 =	vld [tilespmem:s20+$0xFFFFFFF0];
	v2 =	vmul.f32 v4, v2  }
0x14d: {  	v13 =	vld [tilespmem:s31+$0x4010]  }
0x14e: {  	[tilespmem:v3+s14+$0x0] =	vst.idx.add.f32.msk $0xffff, v2  }
0x14f: {  	v3 =	vld [tilespmem:s31+$0x4000]  }
0x150: {  	v2 =	vld [tilespmem:s20+$0xFFFFFFC0]  }
0x151: {  	v14 =	vld [tilespmem:s20+$0x0]  }
0x152: {  	v15 =	vld [tilespmem:s31+$0x4020]  }
0x153: {  	v61 =	vld [tilespmem:s31+$0x4040]  }
0x154: {  	v62 =	vld [tilespmem:s31+$0x4050]  }
0x155: {  	v4 =	vld [tilespmem:s31+$0xC050];
	v2 =	vmul.f32 v5, v2  }
0x156: {  	v5 =	vld [tilespmem:s20+$0x10]  }
0x157: {  	[tilespmem:v3+s14+$0x0] =	vst.idx.add.f32.msk $0xffff, v2  }
0x158: {  	v2 =	vld [tilespmem:s31+$0x4030]  }
0x159: {  	v63 =	vld [tilespmem:s31+$0xC060];
	v7 =	vmul.f32 v7, v11  }
0x15a: {  	v16 =	vld [tilespmem:s20+$0x20];
	v9 =	vmul.f32 v9, v14  }
0x15b: {  	[tilespmem:v15+s14+$0x0] =	vst.idx.add.f32.msk $0xffff, v7;
	v3 =	vmul.f32 v6, v10  }
0x15c: {  	[tilespmem:v61+s14+$0x0] =	vst.idx.add.f32.msk $0xffff, v9  }
0x15d: {  	[tilespmem:v13+s14+$0x0] =	vst.idx.add.f32.msk $0xffff, v3;
	v4 =	vmul.f32 v4, v5  }
0x15e: {  	v8 =	vmul.f32 v8, v12;
	v3 =	vld [tilespmem:s31+$0x4060]  }
0x15f: {  	[tilespmem:v62+s14+$0x0] =	vst.idx.add.f32.msk $0xffff, v4  }
0x160: {  	s21 =	simm.s32 $0x200;
	s22 =	simm.s32 $0x18140;
	s20 =	simm.s32 $0x0;
	[tilespmem:v2+s14+$0x0] =	vst.idx.add.f32.msk $0xffff, v8;
	v2 =	vmul.f32 v63, v16  }
.LBB2_23:
0x161: {  	s23 =	sshra.s32 s21, $0x2;
	v4 =	vld [tilespmem:s22+$0x30];
	s20 =	sadd.s32 $0x80, s20  }
0x162: {  	v5 =	vld [tilespmem:s23+$0x4070];
	p0 =	slt.u32 s20, $0x1F80  }
0x163: {  	v6 =	vld [tilespmem:s23+$0xC070]  }
0x164: {  	v7 =	vld [tilespmem:s23+$0xC000]  }
0x165: {  	v8 =	vld [tilespmem:s23+$0xC010]  }
0x166: {  	v9 =	vld [tilespmem:s23+$0xC020]  }
0x167: {  	v10 =	vld [tilespmem:s23+$0xC030]  }
0x168: {  	v11 =	vld [tilespmem:s23+$0xC040];
	v4 =	vmul.f32 v6, v4  }
0x169: {  	v6 =	vld [tilespmem:s23+$0xC050]  }
0x16a: {  	[tilespmem:v5+s14+$0x0] =	vst.idx.add.f32.msk $0xffff, v4  }
0x16b: {  	v4 =	vld [tilespmem:s23+$0xC060]  }
0x16c: {  	v5 =	vld [tilespmem:s22+$0xFFFFFFC0]  }
0x16d: {  	v12 =	vld [tilespmem:s22+$0xFFFFFFD0]  }
0x16e: {  	v13 =	vld [tilespmem:s22+$0xFFFFFFE0]  }
0x16f: {  	v14 =	vld [tilespmem:s22+$0xFFFFFFF0]  }
0x170: {  	v15 =	vld [tilespmem:s22+$0x0]  }
0x171: {  	v5 =	vmul.f32 v7, v5;
	v7 =	vld [tilespmem:s22+$0x10]  }
0x172: {  	v8 =	vmul.f32 v8, v12;
	v12 =	vld [tilespmem:s22+$0x20]  }
0x173: {  	v16 =	vld [tilespmem:s23+$0x4000];
	v9 =	vmul.f32 v9, v13  }
0x174: {  	v13 =	vld [tilespmem:s23+$0x4010];
	v10 =	vmul.f32 v10, v14  }
0x175: {  	v14 =	vld [tilespmem:s23+$0x4020];
	v11 =	vmul.f32 v11, v15  }
0x176: {  	v15 =	vld [tilespmem:s23+$0x4030];
	v6 =	vmul.f32 v6, v7  }
0x177: {  	v7 =	vld [tilespmem:s23+$0x4040];
	v4 =	vmul.f32 v4, v12  }
0x178: {  	v12 =	vld [tilespmem:s23+$0x4050]  }
0x179: {  	v17 =	vld [tilespmem:s23+$0x4060]  }
0x17a: {  	[tilespmem:v3+s14+$0x0] =	vst.idx.add.f32.msk $0xffff, v2;
	v2 =	vmov v4  }
0x17b: {  	[tilespmem:v16+s14+$0x0] =	vst.idx.add.f32.msk $0xffff, v5  }
.Ltmp10:
0x17c: {  	[tilespmem:v13+s14+$0x0] =	vst.idx.add.f32.msk $0xffff, v8;
	(pc) =	sbr.rel @p0 .LBB2_23-.Ltmp10, $4  }
0x17d: {  	[tilespmem:v14+s14+$0x0] =	vst.idx.add.f32.msk $0xffff, v9  }
0x17e: {  	[tilespmem:v15+s14+$0x0] =	vst.idx.add.f32.msk $0xffff, v10;
	v3 =	vmov v17  }
0x17f: {  	[tilespmem:v7+s14+$0x0] =	vst.idx.add.f32.msk $0xffff, v11  }
0x180: {  	s21 =	sadd.s32 $0x200, s21;
	s22 =	sadd.s32 $0x100, s22;
	[tilespmem:v12+s14+$0x0] =	vst.idx.add.f32.msk $0xffff, v6  }
0x181: {  	_ =	sdelay $0x3  }
0x182: {  	[tilespmem:v3+s14+$0x0] =	vst.idx.add.f32.msk $0xffff, v2  }
0x183: {  	_ =	swait.ge [sflag:s16], $0x2000  }
0x184: {  	[sflag:s16] =	ssyncset.done $0x0  }
0x185: {  	s20 =	simm.s32 $0x180F0;
	[sflag:s16] =	ssyncadd.s32 $0xFFFFE000  }
0x186: {  	s21 =	simm.s32 $0x0;
	v2 =	vld [tilespmem:s20+$0x0]  }
0x187: {  	v3 =	vld [tilespmem:s21+$0x6070]  }
0x188: {  	v4 =	vld [tilespmem:s21+$0xE070]  }
0x189: {  	v5 =	vld [tilespmem:s21+$0xE000]  }
0x18a: {  	v6 =	vld [tilespmem:s21+$0xE010]  }
0x18b: {  	v7 =	vld [tilespmem:s21+$0xE020]  }
0x18c: {  	v8 =	vld [tilespmem:s21+$0xE030]  }
0x18d: {  	v9 =	vld [tilespmem:s21+$0xE040]  }
0x18e: {  	v10 =	vld [tilespmem:s20+$0xFFFFFFA0]  }
0x18f: {  	v11 =	vld [tilespmem:s20+$0xFFFFFFB0]  }
0x190: {  	v12 =	vld [tilespmem:s20+$0xFFFFFFC0];
	v2 =	vmul.f32 v4, v2  }
0x191: {  	v13 =	vld [tilespmem:s21+$0x6010]  }
0x192: {  	[tilespmem:v3+s14+$0x0] =	vst.idx.add.f32.msk $0xffff, v2  }
0x193: {  	v3 =	vld [tilespmem:s21+$0x6000]  }
0x194: {  	v2 =	vld [tilespmem:s20+$0xFFFFFF90]  }
0x195: {  	v14 =	vld [tilespmem:s20+$0xFFFFFFD0]  }
0x196: {  	v15 =	vld [tilespmem:s21+$0x6020]  }
0x197: {  	v61 =	vld [tilespmem:s21+$0x6040]  }
0x198: {  	v62 =	vld [tilespmem:s21+$0x6050]  }
0x199: {  	v4 =	vld [tilespmem:s21+$0xE050];
	v2 =	vmul.f32 v5, v2  }
0x19a: {  	v5 =	vld [tilespmem:s20+$0xFFFFFFE0]  }
0x19b: {  	[tilespmem:v3+s14+$0x0] =	vst.idx.add.f32.msk $0xffff, v2  }
0x19c: {  	v2 =	vld [tilespmem:s21+$0x6030]  }
0x19d: {  	v63 =	vld [tilespmem:s21+$0xE060];
	v7 =	vmul.f32 v7, v11  }
0x19e: {  	v16 =	vld [tilespmem:s20+$0xFFFFFFF0];
	v9 =	vmul.f32 v9, v14  }
0x19f: {  	[tilespmem:v15+s14+$0x0] =	vst.idx.add.f32.msk $0xffff, v7;
	v3 =	vmul.f32 v6, v10  }
0x1a0: {  	[tilespmem:v61+s14+$0x0] =	vst.idx.add.f32.msk $0xffff, v9  }
0x1a1: {  	[tilespmem:v13+s14+$0x0] =	vst.idx.add.f32.msk $0xffff, v3;
	v4 =	vmul.f32 v4, v5  }
0x1a2: {  	v8 =	vmul.f32 v8, v12;
	v3 =	vld [tilespmem:s21+$0x6060]  }
0x1a3: {  	[tilespmem:v62+s14+$0x0] =	vst.idx.add.f32.msk $0xffff, v4  }
0x1a4: {  	s22 =	simm.s32 $0x181F0;
	s20 =	simm.s32 $0x0;
	s21 =	simm.s32 $0x200;
	[tilespmem:v2+s14+$0x0] =	vst.idx.add.f32.msk $0xffff, v8;
	v2 =	vmul.f32 v63, v16  }
.LBB2_25:
0x1a5: {  	s23 =	sshra.s32 s21, $0x2;
	v4 =	vld [tilespmem:s22+$0x0];
	s20 =	sadd.s32 $0x80, s20  }
0x1a6: {  	v5 =	vld [tilespmem:s23+$0x6070];
	p0 =	slt.u32 s20, $0x1F80  }
0x1a7: {  	v6 =	vld [tilespmem:s23+$0xE070]  }
0x1a8: {  	v7 =	vld [tilespmem:s23+$0xE000]  }
0x1a9: {  	v8 =	vld [tilespmem:s23+$0xE010]  }
0x1aa: {  	v9 =	vld [tilespmem:s23+$0xE020]  }
0x1ab: {  	v10 =	vld [tilespmem:s23+$0xE030]  }
0x1ac: {  	v11 =	vld [tilespmem:s23+$0xE040];
	v4 =	vmul.f32 v6, v4  }
0x1ad: {  	v6 =	vld [tilespmem:s23+$0xE050]  }
0x1ae: {  	[tilespmem:v5+s14+$0x0] =	vst.idx.add.f32.msk $0xffff, v4  }
0x1af: {  	v4 =	vld [tilespmem:s23+$0xE060]  }
0x1b0: {  	v5 =	vld [tilespmem:s22+$0xFFFFFF90]  }
0x1b1: {  	v12 =	vld [tilespmem:s22+$0xFFFFFFA0]  }
0x1b2: {  	v13 =	vld [tilespmem:s22+$0xFFFFFFB0]  }
0x1b3: {  	v14 =	vld [tilespmem:s22+$0xFFFFFFC0]  }
0x1b4: {  	v15 =	vld [tilespmem:s22+$0xFFFFFFD0]  }
0x1b5: {  	v5 =	vmul.f32 v7, v5;
	v7 =	vld [tilespmem:s22+$0xFFFFFFE0]  }
0x1b6: {  	v8 =	vmul.f32 v8, v12;
	v12 =	vld [tilespmem:s22+$0xFFFFFFF0]  }
0x1b7: {  	v16 =	vld [tilespmem:s23+$0x6000];
	v9 =	vmul.f32 v9, v13  }
0x1b8: {  	v13 =	vld [tilespmem:s23+$0x6010];
	v10 =	vmul.f32 v10, v14  }
0x1b9: {  	v14 =	vld [tilespmem:s23+$0x6020];
	v11 =	vmul.f32 v11, v15  }
0x1ba: {  	v15 =	vld [tilespmem:s23+$0x6030];
	v6 =	vmul.f32 v6, v7  }
0x1bb: {  	v7 =	vld [tilespmem:s23+$0x6040];
	v4 =	vmul.f32 v4, v12  }
0x1bc: {  	v12 =	vld [tilespmem:s23+$0x6050]  }
0x1bd: {  	v17 =	vld [tilespmem:s23+$0x6060]  }
0x1be: {  	[tilespmem:v3+s14+$0x0] =	vst.idx.add.f32.msk $0xffff, v2;
	v2 =	vmov v4  }
0x1bf: {  	[tilespmem:v16+s14+$0x0] =	vst.idx.add.f32.msk $0xffff, v5  }
.Ltmp11:
0x1c0: {  	[tilespmem:v13+s14+$0x0] =	vst.idx.add.f32.msk $0xffff, v8;
	(pc) =	sbr.rel @p0 .LBB2_25-.Ltmp11, $4  }
0x1c1: {  	[tilespmem:v14+s14+$0x0] =	vst.idx.add.f32.msk $0xffff, v9  }
0x1c2: {  	[tilespmem:v15+s14+$0x0] =	vst.idx.add.f32.msk $0xffff, v10;
	v3 =	vmov v17  }
0x1c3: {  	[tilespmem:v7+s14+$0x0] =	vst.idx.add.f32.msk $0xffff, v11  }
0x1c4: {  	s21 =	sadd.s32 $0x200, s21;
	s22 =	sadd.s32 $0x100, s22;
	[tilespmem:v12+s14+$0x0] =	vst.idx.add.f32.msk $0xffff, v6  }
0x1c5: {  	_ =	sdelay $0x1  }
0x1c6: {  	s18 =	sadd.s32 $0x1, s18  }
0x1c7: {  	p0 =	sne.s32 s18, $0x10  }
.Ltmp12:
0x1c8: {  	[tilespmem:v3+s14+$0x0] =	vst.idx.add.f32.msk $0xffff, v2;
	s19 =	sadd.s32 s4, s19;
	(pc) =	sbr.rel @p0 .LBB2_8-.Ltmp12, $4  }
0x1c9: {  	[hbm4b:s19+s11] =	stream.strided.scatter [tilespmem:s14], [sflag:$0x3], $0x8000, s12, s11, $0x38;
	[tilespmem:$0x1C000] =	vst v63  }
0x1ca: {  	_ =	swait.ge [sflag:s13], $0x8000  }
0x1cb: {  	[sflag:s13] =	ssyncset.done $0x0  }
0x1cc: {  	[sflag:s13] =	ssyncadd.s32 $0xFFFF8000  }
0x1cd: {  	s17 =	sadd.s32 $0x1, s17  }
0x1ce: {  	p0 =	sne.s32 s17, s10  }
.Ltmp13:
0x1cf: {  	_ = 	snop;
	(pc) =	sbr.rel @p0 .LBB2_1-.Ltmp13, $1  }
0x1d0: {  	_ =	sdelay $0x3  }
0x1d1: {  	_ =	sfence.sel $0x180000  }
0x1d2: {  	[bflag:$0x0] =	sbarrier.arrive $0xFFFF  }
0x1d3: {  	p0 =	sne.s32 s2, $0x0;
	_ =	strace $0x90000047  }
0x1d4: {  	s0 =	sadd.s32 @!p0 $0x100000, s0;
	[bflag:$0x2] =	sbarrier.arrive $0xFFFF  }
0x1d5: {  	[sflag:s0] =	ssyncadd.tile.s32 @!p0 $0x1;
	_ =	shalt  }
.Lfunc_end2:
_tile_overlayer_lowered:
.L_overlay_start_2:
0x1d6: {  	(tag) =	ssettag $0x2  }
0x1d7: {  	s0 =	rddreg [dreg:$0x0];
	s2 =	stileid.u32  }
0x1d8: {  	s1 =	rddreg [dreg:$0x1];
	p0 =	sne.s32 s2, $0x0  }
0x1d9: {  	s3 =	rddreg [dreg:$0x2];
	[bflag:$0x3] =	sbarrier.arrive $0xFFFF;
	s2 =	simm.s32 @!p0 $0x1C03  }
0x1da: {  	[timem:s3], [sflag:s2] =	dma.local @!p0 [hbm:s0], s1  }
0x1db: {  	s0 =	simm.s32 @!p0 $0x3  }
0x1dc: {  	_ =	swait.ge @!p0 [sflag:s0], s1  }
0x1dd: {  	s1 =	ssub.s32 @!p0 $0x0, s1;
	[sflag:s0] =	ssyncset.done @!p0 $0x0  }
0x1de: {  	[sflag:s0] =	ssyncadd.s32 @!p0 s1  }
0x1df: {  	[bflag:$0x3] =	sbarrier.arrive $0xFFFF  }
0x1e0: {  	_ =	shalt  }

</sc_bundles>
